<compile_context>
chip_gen: v7x
topology: tpu7x:2x2x1
jax: 0.10.2.dev20260603
libtpu: 0.0.44.dev20260713+nightly
codegen_flags: <defaults>
</compile_context>

<pallas_src>
import jax
import jax.numpy as jnp
from jax import lax
from jax.experimental import pallas as pl
from jax.experimental.pallas import tpu as pltpu
from jax.experimental.pallas import tpu_sc as plsc

B = 4096
V = 100000
D = 64
L = 50
R = 5

NEG = -1e30

NC = 2
NS = 16
NW = NC * NS
PB = B // NW
PT = B // NS
VH = V // NC
VT = VH // NS
SENT = VH
VSH = VH + 8

VB = 2000
CH = 2
GI = 32
LP = 56
LI = 64



def _prep_body(feat_ref, mask_ref, r_ref, uv_ref, wgv_ref, wbp_ref, bgvp_ref,
               rate_ref, fp16_ref, sent_ref, uvlo_ref, uvhi_ref, rpp_ref,
               rext_ref):
    f = feat_ref[...]
    wt = wgv_ref[:D, :]
    fp16_ref[...] = jnp.dot(f, wt, preferred_element_type=jnp.float32).astype(jnp.bfloat16)
    sent_ref[...] = jnp.full((8, D), NEG, jnp.bfloat16)
    uv = uv_ref[...]
    tail = jnp.full((VB, LP - L), SENT, jnp.int32)
    uvlo_ref[...] = jnp.concatenate(
        [jnp.where(uv < VH, uv, SENT), tail], axis=1)
    uvhi_ref[...] = jnp.concatenate(
        [jnp.where(uv >= VH, uv - VH, SENT), tail], axis=1)
    m = mask_ref[...]
    rp = jnp.concatenate(
        [jnp.where(m > 0, r_ref[...], R), jnp.full((VB, LI - L), R, jnp.int32)],
        axis=1)
    s = jnp.sum(m.astype(jnp.float32), axis=1, keepdims=True)
    sbits = lax.bitcast_convert_type(jnp.broadcast_to(s, (VB, LI)), jnp.int32)
    col = lax.broadcasted_iota(jnp.int32, (VB, LI), 1)
    rpp_ref[...] = jnp.where(col == LP, sbits, rp)
    rex = jnp.dot(rate_ref[...], wbp_ref[...], preferred_element_type=jnp.float32) + bgvp_ref[...]
    row = lax.broadcasted_iota(jnp.int32, (8, D), 0)
    rext_ref[...] = jnp.where(row < R, rex, NEG).astype(jnp.bfloat16)


def _combine_body(self_ref, a0_ref, a1_ref, w1t_ref, w1b_ref, b1_ref, out_ref):
    neigh = a0_ref[...].astype(jnp.float32) + a1_ref[...].astype(jnp.float32)
    selfq = self_ref[...]
    x = (jnp.dot(selfq, w1t_ref[...], preferred_element_type=jnp.float32)
         + jnp.dot(neigh, w1b_ref[...], preferred_element_type=jnp.float32)
         + b1_ref[...])
    out_ref[...] = jnp.maximum(x, 0.0)


def _sc_body(nodes_hbm, uvlo_hbm, uvhi_hbm, rpp_hbm, fp16_hbm, sent_hbm,
             rext_hbm, feat_hbm,
             acc0_out, acc1_out, self_out,
             shared, nodes_v, nodes_w, uv_g, rp_g, selfp,
             ngh, e_buf, rx16, rext_f, sem_e, sem_r, sem_u, sem_p, sem_s):
    c = lax.axis_index("c")
    s = lax.axis_index("s")
    wid = s * NC + c
    tbase = s * PT
    wbase = wid * PB

    pltpu.sync_copy(nodes_hbm.at[pl.ds(tbase, PT)], nodes_v)
    pltpu.sync_copy(nodes_hbm.at[pl.ds(wbase, PB)], nodes_w)

    pltpu.sync_copy(fp16_hbm.at[pl.ds(c * VH + s * VT, VT)],
                    shared.at[pl.ds(s * VT, VT)])

    @pl.when(s == 0)
    def _():
        pltpu.sync_copy(sent_hbm, shared.at[pl.ds(VH, 8)])

    himask = jnp.full((16,), -65536, jnp.int32)

    def unpack4(ref, *idx):
        a = plsc.bitcast(ref[idx + (pl.ds(0, 32),)], jnp.int32)
        b = plsc.bitcast(ref[idx + (pl.ds(32, 32),)], jnp.int32)
        return [plsc.bitcast(lax.shift_left(a, 16), jnp.float32),
                plsc.bitcast(lax.bitwise_and(a, himask), jnp.float32),
                plsc.bitcast(lax.shift_left(b, 16), jnp.float32),
                plsc.bitcast(lax.bitwise_and(b, himask), jnp.float32)]

    pltpu.sync_copy(rext_hbm, rx16)
    for q in range(8):
        vs = unpack4(rx16, q)
        for k in range(4):
            rext_f[q, pl.ds(k * 16, 16)] = vs[k]

    plsc.subcore_barrier()

    def fire_idx(g, gbuf):
        nsl = nodes_v.at[pl.ds(g * GI, GI)]

        @pl.when(c == 0)
        def _():
            pltpu.async_copy(uvlo_hbm.at[nsl], uv_g.at[gbuf], sem_u)

        @pl.when(c == 1)
        def _():
            pltpu.async_copy(uvhi_hbm.at[nsl], uv_g.at[gbuf], sem_u)

        pltpu.async_copy(rpp_hbm.at[nsl], rp_g.at[gbuf], sem_p)

    def drain_idx(g, gbuf):
        nsl = nodes_v.at[pl.ds(g * GI, GI)]

        @pl.when(c == 0)
        def _():
            pltpu.make_async_copy(uvlo_hbm.at[nsl], uv_g.at[gbuf], sem_u).wait()

        @pl.when(c == 1)
        def _():
            pltpu.make_async_copy(uvhi_hbm.at[nsl], uv_g.at[gbuf], sem_u).wait()

        pltpu.make_async_copy(rpp_hbm.at[nsl], rp_g.at[gbuf], sem_p).wait()

    def fire_chunk(gbuf, t, buf):
        for j in range(CH):
            il = t * CH + j
            pltpu.async_copy(shared.at[uv_g.at[gbuf, il]], e_buf.at[buf, j], sem_e)

    def drain_chunk(gbuf, t, buf):
        for j in range(CH):
            il = t * CH + j
            pltpu.make_async_copy(shared.at[uv_g.at[gbuf, il]],
                                  e_buf.at[buf, j], sem_e).wait()

    iot = lax.iota(jnp.int32, 16)

    def compute(gbuf, t, buf):
        for j in range(CH):
            il = t * CH + j
            ilv = jnp.zeros((16,), jnp.int32) + il
            gv = jnp.zeros((16,), jnp.int32) + gbuf

            def lbody(l, accs):
                es = unpack4(e_buf, buf, j, l)
                rsp = plsc.load_gather(
                    rp_g, [gv, ilv, jnp.zeros((16,), jnp.int32) + l])
                rs = [plsc.load_gather(rext_f, [rsp, iot + 16 * k])
                      for k in range(4)]
                return tuple(accs[k] + jnp.maximum(es[k] + rs[k], 0.0)
                             for k in range(4))

            z = jnp.zeros((16,), jnp.float32)
            accs = lax.fori_loop(0, L, lbody, (z, z, z, z))
            gv = jnp.zeros((16,), jnp.int32) + gbuf
            dbits = plsc.load_gather(
                rp_g, [gv, jnp.full((16,), il, jnp.int32),
                       jnp.full((16,), LP, jnp.int32)])
            den = jnp.maximum(plsc.bitcast(dbits, jnp.float32), 1.0)
            ngh[il, pl.ds(0, 32)] = plsc.pack(
                accs[0] / den, accs[1] / den, format=plsc.PackFormat.INTERLEAVED)
            ngh[il, pl.ds(32, 32)] = plsc.pack(
                accs[2] / den, accs[3] / den, format=plsc.PackFormat.INTERLEAVED)

    NGRP = PT // GI
    NT = GI // CH
    fire_idx(0, 0)
    drain_idx(0, 0)
    fire_idx(1, 1)

    def group(g, _):
        gbuf = lax.rem(g, 2)
        fire_chunk(gbuf, 0, 0)

        def step(t, _):
            buf = lax.rem(t, 2)
            drain_chunk(gbuf, t, buf)

            @pl.when(t < NT - 1)
            def _():
                fire_chunk(gbuf, t + 1, 1 - buf)

            compute(gbuf, t, buf)
            return 0

        lax.fori_loop(0, NT, step, 0)

        @pl.when(c == 0)
        def _():
            pltpu.sync_copy(ngh, acc0_out.at[pl.ds(tbase + g * GI, GI)])

        @pl.when(c == 1)
        def _():
            pltpu.sync_copy(ngh, acc1_out.at[pl.ds(tbase + g * GI, GI)])

        @pl.when(g < NGRP - 1)
        def _():
            drain_idx(g + 1, 1 - gbuf)

        @pl.when(g < NGRP - 2)
        def _():
            fire_idx(g + 2, gbuf)

        return 0

    lax.fori_loop(0, NGRP, group, 0)

    for p in range(PB // GI):
        pltpu.async_copy(feat_hbm.at[nodes_w.at[pl.ds(p * GI, GI)]],
                         selfp, sem_s).wait()
        pltpu.sync_copy(selfp, self_out.at[pl.ds(wbase + p * GI, GI)])


def kernel(nodes, hist_uv, hist_uv_mask, hist_r, hist_r_mask,
           features, rating_emb, W_gv, b_gv, W1, b1):
    nodes = nodes.astype(jnp.int32)
    uvp = hist_uv.astype(jnp.int32)
    rp = hist_r.astype(jnp.int32)
    maskp = hist_uv_mask.astype(jnp.int32)
    rate_pad = jnp.zeros((8, D), jnp.float32).at[:R].set(rating_emb)
    wbp = W_gv[D:, :]
    bgvp = b_gv.reshape(1, D)
    b12 = b1.reshape(1, D)

    grid1 = V // VB
    fp16, sent, uvlo, uvhi, rpp, rext = pl.pallas_call(
        _prep_body,
        grid=(grid1,),
        in_specs=[
            pl.BlockSpec((VB, D), lambda i: (i, 0)),
            pl.BlockSpec((VB, L), lambda i: (i, 0)),
            pl.BlockSpec((VB, L), lambda i: (i, 0)),
            pl.BlockSpec((VB, L), lambda i: (i, 0)),
            pl.BlockSpec((2 * D, D), lambda i: (0, 0)),
            pl.BlockSpec((D, D), lambda i: (0, 0)),
            pl.BlockSpec((1, D), lambda i: (0, 0)),
            pl.BlockSpec((8, D), lambda i: (0, 0)),
        ],
        out_specs=[
            pl.BlockSpec((VB, D), lambda i: (i, 0)),
            pl.BlockSpec((8, D), lambda i: (0, 0)),
            pl.BlockSpec((VB, LP), lambda i: (i, 0)),
            pl.BlockSpec((VB, LP), lambda i: (i, 0)),
            pl.BlockSpec((VB, LI), lambda i: (i, 0)),
            pl.BlockSpec((8, D), lambda i: (0, 0)),
        ],
        out_shape=[
            jax.ShapeDtypeStruct((V, D), jnp.bfloat16),
            jax.ShapeDtypeStruct((8, D), jnp.bfloat16),
            jax.ShapeDtypeStruct((V, LP), jnp.int32),
            jax.ShapeDtypeStruct((V, LP), jnp.int32),
            jax.ShapeDtypeStruct((V, LI), jnp.int32),
            jax.ShapeDtypeStruct((8, D), jnp.bfloat16),
        ],
    )(features, maskp, rp, uvp, W_gv, wbp, bgvp, rate_pad)

    mesh = plsc.VectorSubcoreMesh(core_axis_name="c", subcore_axis_name="s",
                                  num_cores=NC, num_subcores=NS)
    acc0, acc1, selff = pl.kernel(
        _sc_body,
        out_type=[
            jax.ShapeDtypeStruct((B, D), jnp.bfloat16),
            jax.ShapeDtypeStruct((B, D), jnp.bfloat16),
            jax.ShapeDtypeStruct((B, D), jnp.float32),
        ],
        mesh=mesh,
        compiler_params=pltpu.CompilerParams(use_tc_tiling_on_sc=False,
                                             needs_layout_passes=False),
        scratch_types=[
            pltpu.VMEM_SHARED((VSH, D), jnp.bfloat16),
            pltpu.VMEM((PT,), jnp.int32),
            pltpu.VMEM((PB,), jnp.int32),
            pltpu.VMEM((2, GI, LP), jnp.int32),
            pltpu.VMEM((2, GI, LI), jnp.int32),
            pltpu.VMEM((GI, D), jnp.float32),
            pltpu.VMEM((GI, D), jnp.bfloat16),
            pltpu.VMEM((2, CH, LP, D), jnp.bfloat16),
            pltpu.VMEM((8, D), jnp.bfloat16),
            pltpu.VMEM((8, D), jnp.float32),
        ] + [pltpu.SemaphoreType.DMA] * 5,
    )(nodes, uvlo, uvhi, rpp, fp16, sent, rext, features)

    BBLK = 512
    out = pl.pallas_call(
        _combine_body,
        grid=(B // BBLK,),
        in_specs=[
            pl.BlockSpec((BBLK, D), lambda i: (i, 0)),
            pl.BlockSpec((BBLK, D), lambda i: (i, 0)),
            pl.BlockSpec((BBLK, D), lambda i: (i, 0)),
            pl.BlockSpec((D, D), lambda i: (0, 0)),
            pl.BlockSpec((D, D), lambda i: (0, 0)),
            pl.BlockSpec((1, D), lambda i: (0, 0)),
        ],
        out_specs=pl.BlockSpec((BBLK, D), lambda i: (i, 0)),
        out_shape=jax.ShapeDtypeStruct((B, D), jnp.float32),
    )(selff, acc0, acc1, W1[:D, :], W1[D:, :], b12)
    return out

# --- scband reference (transcript-rebuilt; emitter-appended) ---
"""Pipeline reference for scband-uv-encoder-47974784696935 (READ-ONLY COPY).

The authoritative reference and input builder live on the scoring server;
editing this copy changes nothing except your own understanding.
"""

import jax, jax.numpy as jnp
import numpy as np

B = 4096      # batch of nodes
V = 100000    # num nodes / embedding rows (vocab)
D = 64        # embed_dim
L = 50        # padded history length (max_len <= 64, so no shuffle/truncate branch)
R = 5         # num rating levels


def setup_inputs(seed: int = 0) -> dict:
    key = jax.random.key(seed)
    ks = jax.random.split(key, 10)
    nodes = jax.random.randint(ks[0], (B,), 0, V)
    # ragged history lists materialized as padded [V, L] buffers + masks (as in __init__)
    lengths = jax.random.randint(ks[1], (V,), 1, L + 1)
    pos = jnp.arange(L)[None, :]
    hist_uv_mask = (pos < lengths[:, None]).astype(jnp.int32)
    hist_uv = jax.random.randint(ks[2], (V, L), 0, V) * hist_uv_mask.astype(jnp.int64)
    hist_r = jax.random.randint(ks[3], (V, L), 0, R) * hist_uv_mask.astype(jnp.int64)
    hist_r_mask = hist_uv_mask
    # learned parameters
    features = jax.random.normal(ks[4], (V, D), jnp.float32) * 0.02   # self.features embedding table
    rating_emb = jax.random.normal(ks[5], (R, D), jnp.float32) * 0.02 # aggregator rating embedding
    W_gv = jax.random.normal(ks[6], (2 * D, D), jnp.float32) / np.sqrt(2 * D)  # aggregator g_v MLP
    b_gv = jnp.zeros((D,), jnp.float32)
    W1 = jax.random.normal(ks[7], (2 * D, D), jnp.float32) / np.sqrt(2 * D)    # self.linear1
    b1 = jnp.zeros((D,), jnp.float32)
    return {"nodes": nodes, "hist_uv": hist_uv, "hist_uv_mask": hist_uv_mask,
            "hist_r": hist_r, "hist_r_mask": hist_r_mask,
            "features": features, "rating_emb": rating_emb,
            "W_gv": W_gv, "b_gv": b_gv, "W1": W1, "b1": b1}


def reference(nodes, hist_uv, hist_uv_mask, hist_r, hist_r_mask,
              features, rating_emb, W_gv, b_gv, W1, b1):
    # gather padded ragged histories for the batch (self.history_uv_lists[cpu_nodes])
    uv = jnp.take(hist_uv, nodes, axis=0)                      # [B, L] int
    m = jnp.take(hist_uv_mask, nodes, axis=0).astype(jnp.float32)  # [B, L]
    r = jnp.take(hist_r, nodes, axis=0)                        # [B, L] int
    # (max_len <= 64 so the shuffle/truncate branch is not taken; slicing to the
    #  batch max width is equivalent to full width because padding is masked out)
    # aggregator: per-neighbor g_v MLP over [item_emb, rating_emb], masked mean
    e = jnp.take(features, uv, axis=0)                         # [B, L, D]
    er = jnp.take(rating_emb, r, axis=0)                       # [B, L, D]
    x = jax.nn.relu(jnp.concatenate([e, er], axis=-1) @ W_gv + b_gv)  # [B, L, D]
    x = x * m[..., None]
    denom = jnp.maximum(jnp.sum(m, axis=1, keepdims=True), 1.0)
    neigh_feats = jnp.sum(x, axis=1) / denom                   # [B, D]
    # self features + combine
    self_feats = jnp.take(features, nodes, axis=0)             # [B, D]
    combined = jnp.concatenate([self_feats, neigh_feats], axis=1)  # [B, 2D]
    combined = jax.nn.relu(combined @ W1 + b1)                 # [B, D]
    return combined

if __name__ == "__main__":
    import jax
    _d = setup_inputs()
    print(jax.jit(kernel)(*tuple(_d.values())))

</pallas_src>

<mosaic_0001>
#map = affine_map<(d0, d1) -> (0)>
#map1 = affine_map<(d0, d1) -> (0, 0)>
module attributes {stable_mosaic.version = 14 : i64} {
  func.func @_sc_body(%arg0: i32, %arg1: i32, %arg2: memref<4096xi32, #tpu.memory_space<hbm>>, %arg3: memref<100000x56xi32, #tpu.memory_space<hbm>>, %arg4: memref<100000x56xi32, #tpu.memory_space<hbm>>, %arg5: memref<100000x64xi32, #tpu.memory_space<hbm>>, %arg6: memref<100000x64xbf16, #tpu.memory_space<hbm>>, %arg7: memref<8x64xbf16, #tpu.memory_space<hbm>>, %arg8: memref<8x64xbf16, #tpu.memory_space<hbm>>, %arg9: memref<100000x64xf32, #tpu.memory_space<hbm>>, %arg10: memref<4096x64xbf16, #tpu.memory_space<hbm>>, %arg11: memref<4096x64xbf16, #tpu.memory_space<hbm>>, %arg12: memref<4096x64xf32, #tpu.memory_space<hbm>>, %arg13: memref<50008x64xbf16, #tpu.memory_space<vmem_shared>>, %arg14: memref<256xi32, #tpu.memory_space<vmem>>, %arg15: memref<128xi32, #tpu.memory_space<vmem>>, %arg16: memref<2x32x56xi32, #tpu.memory_space<vmem>>, %arg17: memref<2x32x64xi32, #tpu.memory_space<vmem>>, %arg18: memref<32x64xf32, #tpu.memory_space<vmem>>, %arg19: memref<32x64xbf16, #tpu.memory_space<vmem>>, %arg20: memref<2x2x56x64xbf16, #tpu.memory_space<vmem>>, %arg21: memref<8x64xbf16, #tpu.memory_space<vmem>>, %arg22: memref<8x64xf32, #tpu.memory_space<vmem>>, %arg23: memref<!tpu.dma_semaphore, #tpu.memory_space<semaphore_mem>>, %arg24: memref<!tpu.dma_semaphore, #tpu.memory_space<semaphore_mem>>, %arg25: memref<!tpu.dma_semaphore, #tpu.memory_space<semaphore_mem>>, %arg26: memref<!tpu.dma_semaphore, #tpu.memory_space<semaphore_mem>>, %arg27: memref<!tpu.dma_semaphore, #tpu.memory_space<semaphore_mem>>) attributes {dimension_semantics = [#tpu.dimension_semantics<core_parallel>, #tpu.dimension_semantics<subcore_parallel>], iteration_bounds = array<i64: 2, 16>, scalar_prefetch = 0 : i64, scratch_operands = 15 : i64, tpu.core_type = #tpu.core_type<sc_vector_subcore>, window_params = [{transform_indices = #map}, {transform_indices = #map1}, {transform_indices = #map1}, {transform_indices = #map1}, {transform_indices = #map1}, {transform_indices = #map1}, {transform_indices = #map1}, {transform_indices = #map1}, {transform_indices = #map1}, {transform_indices = #map1}, {transform_indices = #map1}]} {
    %mul3A = arith.constant 2 : i32
    %mul3A_0 = arith.muli %arg1, %mul3A : i32
    %add3A = arith.addi %mul3A_0, %arg0 : i32
    %mul3A_1 = arith.constant 256 : i32
    %mul3A_2 = arith.muli %arg1, %mul3A_1 : i32
    %mul3A_3 = arith.constant 128 : i32
    %mul3A_4 = arith.muli %add3A, %mul3A_3 : i32
    "tpu.region"() ({
      %run_scoped3A = tpu.sem_alloc : memref<!tpu.dma_semaphore, #tpu.memory_space<semaphore_mem>>
      %dma_start3A_426 = tpu.memref_slice %arg2[%mul3A_2] : memref<4096xi32, #tpu.memory_space<hbm>> -> memref<256xi32, #tpu.memory_space<hbm>>
      %dma_start3A_427 = tpu.memref_slice %arg2[%mul3A_2] : memref<4096xi32, #tpu.memory_space<hbm>> -> memref<256xi32, #tpu.memory_space<hbm>>
      tpu.enqueue_dma source(%dma_start3A_427 : memref<256xi32, #tpu.memory_space<hbm>>) target(%arg14 : memref<256xi32, #tpu.memory_space<vmem>>) target_semaphore(%run_scoped3A : memref<!tpu.dma_semaphore, #tpu.memory_space<semaphore_mem>>)
      %dma_wait3A_428 = tpu.memref_slice %arg2[%mul3A_2] : memref<4096xi32, #tpu.memory_space<hbm>> -> memref<256xi32, #tpu.memory_space<hbm>>
      %dma_wait3A_429 = tpu.memref_slice %arg2[%mul3A_2] : memref<4096xi32, #tpu.memory_space<hbm>> -> memref<256xi32, #tpu.memory_space<hbm>>
      tpu.wait_dma2 semaphore(%run_scoped3A : memref<!tpu.dma_semaphore, #tpu.memory_space<semaphore_mem>>) src(%dma_wait3A_429 : memref<256xi32, #tpu.memory_space<hbm>>) dst(%arg14 : memref<256xi32, #tpu.memory_space<vmem>>)
      tpu.yield
    }) : () -> ()
    "tpu.region"() ({
      %run_scoped3A = tpu.sem_alloc : memref<!tpu.dma_semaphore, #tpu.memory_space<semaphore_mem>>
      %dma_start3A_426 = tpu.memref_slice %arg2[%mul3A_4] : memref<4096xi32, #tpu.memory_space<hbm>> -> memref<128xi32, #tpu.memory_space<hbm>>
      %dma_start3A_427 = tpu.memref_slice %arg2[%mul3A_4] : memref<4096xi32, #tpu.memory_space<hbm>> -> memref<128xi32, #tpu.memory_space<hbm>>
      tpu.enqueue_dma source(%dma_start3A_427 : memref<128xi32, #tpu.memory_space<hbm>>) target(%arg15 : memref<128xi32, #tpu.memory_space<vmem>>) target_semaphore(%run_scoped3A : memref<!tpu.dma_semaphore, #tpu.memory_space<semaphore_mem>>)
      %dma_wait3A_428 = tpu.memref_slice %arg2[%mul3A_4] : memref<4096xi32, #tpu.memory_space<hbm>> -> memref<128xi32, #tpu.memory_space<hbm>>
      %dma_wait3A_429 = tpu.memref_slice %arg2[%mul3A_4] : memref<4096xi32, #tpu.memory_space<hbm>> -> memref<128xi32, #tpu.memory_space<hbm>>
      tpu.wait_dma2 semaphore(%run_scoped3A : memref<!tpu.dma_semaphore, #tpu.memory_space<semaphore_mem>>) src(%dma_wait3A_429 : memref<128xi32, #tpu.memory_space<hbm>>) dst(%arg15 : memref<128xi32, #tpu.memory_space<vmem>>)
      tpu.yield
    }) : () -> ()
    %mul3A_5 = arith.constant 50000 : i32
    %mul3A_6 = arith.muli %arg0, %mul3A_5 : i32
    %mul3A_7 = arith.constant 3125 : i32
    %mul3A_8 = arith.muli %arg1, %mul3A_7 : i32
    %add3A_9 = arith.addi %mul3A_6, %mul3A_8 : i32
    %mul3A_10 = arith.constant 3125 : i32
    %mul3A_11 = arith.muli %arg1, %mul3A_10 : i32
    "tpu.region"() ({
      %run_scoped3A = tpu.sem_alloc : memref<!tpu.dma_semaphore, #tpu.memory_space<semaphore_mem>>
      %dma_start3A_426 = arith.constant 0 : i32
      %dma_start3A_427 = tpu.memref_slice %arg13[%mul3A_11, %dma_start3A_426] : memref<50008x64xbf16, #tpu.memory_space<vmem_shared>> -> memref<3125x64xbf16, #tpu.memory_space<vmem_shared>>
      %dma_start3A_428 = arith.constant 0 : i32
      %dma_start3A_429 = tpu.memref_slice %arg6[%add3A_9, %dma_start3A_428] : memref<100000x64xbf16, #tpu.memory_space<hbm>> -> memref<3125x64xbf16, #tpu.memory_space<hbm>>
      tpu.enqueue_dma source(%dma_start3A_429 : memref<3125x64xbf16, #tpu.memory_space<hbm>>) target(%dma_start3A_427 : memref<3125x64xbf16, #tpu.memory_space<vmem_shared>>) target_semaphore(%run_scoped3A : memref<!tpu.dma_semaphore, #tpu.memory_space<semaphore_mem>>)
      %dma_wait3A_430 = arith.constant 0 : i32
      %dma_wait3A_431 = tpu.memref_slice %arg13[%mul3A_11, %dma_wait3A_430] : memref<50008x64xbf16, #tpu.memory_space<vmem_shared>> -> memref<3125x64xbf16, #tpu.memory_space<vmem_shared>>
      %dma_wait3A_432 = arith.constant 0 : i32
      %dma_wait3A_433 = tpu.memref_slice %arg6[%add3A_9, %dma_wait3A_432] : memref<100000x64xbf16, #tpu.memory_space<hbm>> -> memref<3125x64xbf16, #tpu.memory_space<hbm>>
      tpu.wait_dma2 semaphore(%run_scoped3A : memref<!tpu.dma_semaphore, #tpu.memory_space<semaphore_mem>>) src(%dma_wait3A_433 : memref<3125x64xbf16, #tpu.memory_space<hbm>>) dst(%dma_wait3A_431 : memref<3125x64xbf16, #tpu.memory_space<vmem_shared>>)
      tpu.yield
    }) : () -> ()
    %eq3A = arith.constant 0 : i32
    %eq3A_12 = arith.cmpi eq, %arg1, %eq3A : i32
    %convert_element_type3A = arith.extui %eq3A_12 : i1 to i32
    %cond3A = arith.constant 0 : i32
    %cond3A_13 = arith.cmpi ne, %convert_element_type3A, %cond3A : i32
    scf.if %cond3A_13 {
      "tpu.region"() ({
        %run_scoped3A = tpu.sem_alloc : memref<!tpu.dma_semaphore, #tpu.memory_space<semaphore_mem>>
        %dma_start3A_426 = arith.constant 50000 : i32
        %dma_start3A_427 = arith.constant 0 : i32
        %dma_start3A_428 = tpu.memref_slice %arg13[%dma_start3A_426, %dma_start3A_427] : memref<50008x64xbf16, #tpu.memory_space<vmem_shared>> -> memref<8x64xbf16, #tpu.memory_space<vmem_shared>>
        tpu.enqueue_dma source(%arg7 : memref<8x64xbf16, #tpu.memory_space<hbm>>) target(%dma_start3A_428 : memref<8x64xbf16, #tpu.memory_space<vmem_shared>>) target_semaphore(%run_scoped3A : memref<!tpu.dma_semaphore, #tpu.memory_space<semaphore_mem>>)
        %dma_wait3A_429 = arith.constant 50000 : i32
        %dma_wait3A_430 = arith.constant 0 : i32
        %dma_wait3A_431 = tpu.memref_slice %arg13[%dma_wait3A_429, %dma_wait3A_430] : memref<50008x64xbf16, #tpu.memory_space<vmem_shared>> -> memref<8x64xbf16, #tpu.memory_space<vmem_shared>>
        tpu.wait_dma2 semaphore(%run_scoped3A : memref<!tpu.dma_semaphore, #tpu.memory_space<semaphore_mem>>) src(%arg7 : memref<8x64xbf16, #tpu.memory_space<hbm>>) dst(%dma_wait3A_431 : memref<8x64xbf16, #tpu.memory_space<vmem_shared>>)
        tpu.yield
      }) : () -> ()
    } else {
    }
    %broadcast_in_dim3A = arith.constant -65536 : i32
    %broadcast_in_dim3A_14 = vector.broadcast %broadcast_in_dim3A : i32 to vector<16xi32>
    "tpu.region"() ({
      %run_scoped3A = tpu.sem_alloc : memref<!tpu.dma_semaphore, #tpu.memory_space<semaphore_mem>>
      tpu.enqueue_dma source(%arg8 : memref<8x64xbf16, #tpu.memory_space<hbm>>) target(%arg21 : memref<8x64xbf16, #tpu.memory_space<vmem>>) target_semaphore(%run_scoped3A : memref<!tpu.dma_semaphore, #tpu.memory_space<semaphore_mem>>)
      tpu.wait_dma2 semaphore(%run_scoped3A : memref<!tpu.dma_semaphore, #tpu.memory_space<semaphore_mem>>) src(%arg8 : memref<8x64xbf16, #tpu.memory_space<hbm>>) dst(%arg21 : memref<8x64xbf16, #tpu.memory_space<vmem>>)
      tpu.yield
    }) : () -> ()
    %get3A = arith.constant 0 : i32
    %get3A_15 = arith.index_cast %get3A : i32 to index
    %get3A_16 = arith.constant 0 : index
    %get3A_17 = tpu.vector_load %arg21[%get3A_15, %get3A_16] {strides = array<i32>} : memref<8x64xbf16, #tpu.memory_space<vmem>>, vector<32xbf16>,
    %bitcast3A = vector.bitcast %get3A_17 : vector<32xbf16> to vector<16xi32>
    %get3A_18 = arith.constant 0 : i32
    %get3A_19 = arith.index_cast %get3A_18 : i32 to index
    %get3A_20 = arith.constant 32 : index
    %get3A_21 = tpu.vector_load %arg21[%get3A_19, %get3A_20] {strides = array<i32>} : memref<8x64xbf16, #tpu.memory_space<vmem>>, vector<32xbf16>,
    %bitcast3A_22 = vector.bitcast %get3A_21 : vector<32xbf16> to vector<16xi32>
    %shift_left3A = arith.constant 16 : i32
    %shift_left3A_23 = vector.broadcast %shift_left3A : i32 to vector<16xi32>
    %shift_left3A_24 = arith.shli %bitcast3A, %shift_left3A_23 : vector<16xi32>
    %bitcast3A_25 = vector.bitcast %shift_left3A_24 : vector<16xi32> to vector<16xf32>
    %and3A = arith.andi %bitcast3A, %broadcast_in_dim3A_14 : vector<16xi32>
    %bitcast3A_26 = vector.bitcast %and3A : vector<16xi32> to vector<16xf32>
    %shift_left3A_27 = arith.constant 16 : i32
    %shift_left3A_28 = vector.broadcast %shift_left3A_27 : i32 to vector<16xi32>
    %shift_left3A_29 = arith.shli %bitcast3A_22, %shift_left3A_28 : vector<16xi32>
    %bitcast3A_30 = vector.bitcast %shift_left3A_29 : vector<16xi32> to vector<16xf32>
    %and3A_31 = arith.andi %bitcast3A_22, %broadcast_in_dim3A_14 : vector<16xi32>
    %bitcast3A_32 = vector.bitcast %and3A_31 : vector<16xi32> to vector<16xf32>
    %swap3A = arith.constant 0 : i32
    %swap3A_33 = arith.index_cast %swap3A : i32 to index
    %swap3A_34 = arith.constant 0 : index
    %swap3A_35 = tpu.vector_load %arg22[%swap3A_33, %swap3A_34] {strides = array<i32>} : memref<8x64xf32, #tpu.memory_space<vmem>>, vector<16xf32>,
    tpu.vector_store %arg22[%swap3A_33, %swap3A_34], %bitcast3A_25 {strides = array<i32>} : memref<8x64xf32, #tpu.memory_space<vmem>>, vector<16xf32>,
    %swap3A_36 = arith.constant 0 : i32
    %swap3A_37 = arith.index_cast %swap3A_36 : i32 to index
    %swap3A_38 = arith.constant 16 : index
    %swap3A_39 = tpu.vector_load %arg22[%swap3A_37, %swap3A_38] {strides = array<i32>} : memref<8x64xf32, #tpu.memory_space<vmem>>, vector<16xf32>,
    tpu.vector_store %arg22[%swap3A_37, %swap3A_38], %bitcast3A_26 {strides = array<i32>} : memref<8x64xf32, #tpu.memory_space<vmem>>, vector<16xf32>,
    %swap3A_40 = arith.constant 0 : i32
    %swap3A_41 = arith.index_cast %swap3A_40 : i32 to index
    %swap3A_42 = arith.constant 32 : index
    %swap3A_43 = tpu.vector_load %arg22[%swap3A_41, %swap3A_42] {strides = array<i32>} : memref<8x64xf32, #tpu.memory_space<vmem>>, vector<16xf32>,
    tpu.vector_store %arg22[%swap3A_41, %swap3A_42], %bitcast3A_30 {strides = array<i32>} : memref<8x64xf32, #tpu.memory_space<vmem>>, vector<16xf32>,
    %swap3A_44 = arith.constant 0 : i32
    %swap3A_45 = arith.index_cast %swap3A_44 : i32 to index
    %swap3A_46 = arith.constant 48 : index
    %swap3A_47 = tpu.vector_load %arg22[%swap3A_45, %swap3A_46] {strides = array<i32>} : memref<8x64xf32, #tpu.memory_space<vmem>>, vector<16xf32>,
    tpu.vector_store %arg22[%swap3A_45, %swap3A_46], %bitcast3A_32 {strides = array<i32>} : memref<8x64xf32, #tpu.memory_space<vmem>>, vector<16xf32>,
    %get3A_48 = arith.constant 1 : i32
    %get3A_49 = arith.index_cast %get3A_48 : i32 to index
    %get3A_50 = arith.constant 0 : index
    %get3A_51 = tpu.vector_load %arg21[%get3A_49, %get3A_50] {strides = array<i32>} : memref<8x64xbf16, #tpu.memory_space<vmem>>, vector<32xbf16>,
    %bitcast3A_52 = vector.bitcast %get3A_51 : vector<32xbf16> to vector<16xi32>
    %get3A_53 = arith.constant 1 : i32
    %get3A_54 = arith.index_cast %get3A_53 : i32 to index
    %get3A_55 = arith.constant 32 : index
    %get3A_56 = tpu.vector_load %arg21[%get3A_54, %get3A_55] {strides = array<i32>} : memref<8x64xbf16, #tpu.memory_space<vmem>>, vector<32xbf16>,
    %bitcast3A_57 = vector.bitcast %get3A_56 : vector<32xbf16> to vector<16xi32>
    %shift_left3A_58 = arith.constant 16 : i32
    %shift_left3A_59 = vector.broadcast %shift_left3A_58 : i32 to vector<16xi32>
    %shift_left3A_60 = arith.shli %bitcast3A_52, %shift_left3A_59 : vector<16xi32>
    %bitcast3A_61 = vector.bitcast %shift_left3A_60 : vector<16xi32> to vector<16xf32>
    %and3A_62 = arith.andi %bitcast3A_52, %broadcast_in_dim3A_14 : vector<16xi32>
    %bitcast3A_63 = vector.bitcast %and3A_62 : vector<16xi32> to vector<16xf32>
    %shift_left3A_64 = arith.constant 16 : i32
    %shift_left3A_65 = vector.broadcast %shift_left3A_64 : i32 to vector<16xi32>
    %shift_left3A_66 = arith.shli %bitcast3A_57, %shift_left3A_65 : vector<16xi32>
    %bitcast3A_67 = vector.bitcast %shift_left3A_66 : vector<16xi32> to vector<16xf32>
    %and3A_68 = arith.andi %bitcast3A_57, %broadcast_in_dim3A_14 : vector<16xi32>
    %bitcast3A_69 = vector.bitcast %and3A_68 : vector<16xi32> to vector<16xf32>
    %swap3A_70 = arith.constant 1 : i32
    %swap3A_71 = arith.index_cast %swap3A_70 : i32 to index
    %swap3A_72 = arith.constant 0 : index
    %swap3A_73 = tpu.vector_load %arg22[%swap3A_71, %swap3A_72] {strides = array<i32>} : memref<8x64xf32, #tpu.memory_space<vmem>>, vector<16xf32>,
    tpu.vector_store %arg22[%swap3A_71, %swap3A_72], %bitcast3A_61 {strides = array<i32>} : memref<8x64xf32, #tpu.memory_space<vmem>>, vector<16xf32>,
    %swap3A_74 = arith.constant 1 : i32
    %swap3A_75 = arith.index_cast %swap3A_74 : i32 to index
    %swap3A_76 = arith.constant 16 : index
    %swap3A_77 = tpu.vector_load %arg22[%swap3A_75, %swap3A_76] {strides = array<i32>} : memref<8x64xf32, #tpu.memory_space<vmem>>, vector<16xf32>,
    tpu.vector_store %arg22[%swap3A_75, %swap3A_76], %bitcast3A_63 {strides = array<i32>} : memref<8x64xf32, #tpu.memory_space<vmem>>, vector<16xf32>,
    %swap3A_78 = arith.constant 1 : i32
    %swap3A_79 = arith.index_cast %swap3A_78 : i32 to index
    %swap3A_80 = arith.constant 32 : index
    %swap3A_81 = tpu.vector_load %arg22[%swap3A_79, %swap3A_80] {strides = array<i32>} : memref<8x64xf32, #tpu.memory_space<vmem>>, vector<16xf32>,
    tpu.vector_store %arg22[%swap3A_79, %swap3A_80], %bitcast3A_67 {strides = array<i32>} : memref<8x64xf32, #tpu.memory_space<vmem>>, vector<16xf32>,
    %swap3A_82 = arith.constant 1 : i32
    %swap3A_83 = arith.index_cast %swap3A_82 : i32 to index
    %swap3A_84 = arith.constant 48 : index
    %swap3A_85 = tpu.vector_load %arg22[%swap3A_83, %swap3A_84] {strides = array<i32>} : memref<8x64xf32, #tpu.memory_space<vmem>>, vector<16xf32>,
    tpu.vector_store %arg22[%swap3A_83, %swap3A_84], %bitcast3A_69 {strides = array<i32>} : memref<8x64xf32, #tpu.memory_space<vmem>>, vector<16xf32>,
    %get3A_86 = arith.constant 2 : i32
    %get3A_87 = arith.index_cast %get3A_86 : i32 to index
    %get3A_88 = arith.constant 0 : index
    %get3A_89 = tpu.vector_load %arg21[%get3A_87, %get3A_88] {strides = array<i32>} : memref<8x64xbf16, #tpu.memory_space<vmem>>, vector<32xbf16>,
    %bitcast3A_90 = vector.bitcast %get3A_89 : vector<32xbf16> to vector<16xi32>
    %get3A_91 = arith.constant 2 : i32
    %get3A_92 = arith.index_cast %get3A_91 : i32 to index
    %get3A_93 = arith.constant 32 : index
    %get3A_94 = tpu.vector_load %arg21[%get3A_92, %get3A_93] {strides = array<i32>} : memref<8x64xbf16, #tpu.memory_space<vmem>>, vector<32xbf16>,
    %bitcast3A_95 = vector.bitcast %get3A_94 : vector<32xbf16> to vector<16xi32>
    %shift_left3A_96 = arith.constant 16 : i32
    %shift_left3A_97 = vector.broadcast %shift_left3A_96 : i32 to vector<16xi32>
    %shift_left3A_98 = arith.shli %bitcast3A_90, %shift_left3A_97 : vector<16xi32>
    %bitcast3A_99 = vector.bitcast %shift_left3A_98 : vector<16xi32> to vector<16xf32>
    %and3A_100 = arith.andi %bitcast3A_90, %broadcast_in_dim3A_14 : vector<16xi32>
    %bitcast3A_101 = vector.bitcast %and3A_100 : vector<16xi32> to vector<16xf32>
    %shift_left3A_102 = arith.constant 16 : i32
    %shift_left3A_103 = vector.broadcast %shift_left3A_102 : i32 to vector<16xi32>
    %shift_left3A_104 = arith.shli %bitcast3A_95, %shift_left3A_103 : vector<16xi32>
    %bitcast3A_105 = vector.bitcast %shift_left3A_104 : vector<16xi32> to vector<16xf32>
    %and3A_106 = arith.andi %bitcast3A_95, %broadcast_in_dim3A_14 : vector<16xi32>
    %bitcast3A_107 = vector.bitcast %and3A_106 : vector<16xi32> to vector<16xf32>
    %swap3A_108 = arith.constant 2 : i32
    %swap3A_109 = arith.index_cast %swap3A_108 : i32 to index
    %swap3A_110 = arith.constant 0 : index
    %swap3A_111 = tpu.vector_load %arg22[%swap3A_109, %swap3A_110] {strides = array<i32>} : memref<8x64xf32, #tpu.memory_space<vmem>>, vector<16xf32>,
    tpu.vector_store %arg22[%swap3A_109, %swap3A_110], %bitcast3A_99 {strides = array<i32>} : memref<8x64xf32, #tpu.memory_space<vmem>>, vector<16xf32>,
    %swap3A_112 = arith.constant 2 : i32
    %swap3A_113 = arith.index_cast %swap3A_112 : i32 to index
    %swap3A_114 = arith.constant 16 : index
    %swap3A_115 = tpu.vector_load %arg22[%swap3A_113, %swap3A_114] {strides = array<i32>} : memref<8x64xf32, #tpu.memory_space<vmem>>, vector<16xf32>,
    tpu.vector_store %arg22[%swap3A_113, %swap3A_114], %bitcast3A_101 {strides = array<i32>} : memref<8x64xf32, #tpu.memory_space<vmem>>, vector<16xf32>,
    %swap3A_116 = arith.constant 2 : i32
    %swap3A_117 = arith.index_cast %swap3A_116 : i32 to index
    %swap3A_118 = arith.constant 32 : index
    %swap3A_119 = tpu.vector_load %arg22[%swap3A_117, %swap3A_118] {strides = array<i32>} : memref<8x64xf32, #tpu.memory_space<vmem>>, vector<16xf32>,
    tpu.vector_store %arg22[%swap3A_117, %swap3A_118], %bitcast3A_105 {strides = array<i32>} : memref<8x64xf32, #tpu.memory_space<vmem>>, vector<16xf32>,
    %swap3A_120 = arith.constant 2 : i32
    %swap3A_121 = arith.index_cast %swap3A_120 : i32 to index
    %swap3A_122 = arith.constant 48 : index
    %swap3A_123 = tpu.vector_load %arg22[%swap3A_121, %swap3A_122] {strides = array<i32>} : memref<8x64xf32, #tpu.memory_space<vmem>>, vector<16xf32>,
    tpu.vector_store %arg22[%swap3A_121, %swap3A_122], %bitcast3A_107 {strides = array<i32>} : memref<8x64xf32, #tpu.memory_space<vmem>>, vector<16xf32>,
    %get3A_124 = arith.constant 3 : i32
    %get3A_125 = arith.index_cast %get3A_124 : i32 to index
    %get3A_126 = arith.constant 0 : index
    %get3A_127 = tpu.vector_load %arg21[%get3A_125, %get3A_126] {strides = array<i32>} : memref<8x64xbf16, #tpu.memory_space<vmem>>, vector<32xbf16>,
    %bitcast3A_128 = vector.bitcast %get3A_127 : vector<32xbf16> to vector<16xi32>
    %get3A_129 = arith.constant 3 : i32
    %get3A_130 = arith.index_cast %get3A_129 : i32 to index
    %get3A_131 = arith.constant 32 : index
    %get3A_132 = tpu.vector_load %arg21[%get3A_130, %get3A_131] {strides = array<i32>} : memref<8x64xbf16, #tpu.memory_space<vmem>>, vector<32xbf16>,
    %bitcast3A_133 = vector.bitcast %get3A_132 : vector<32xbf16> to vector<16xi32>
    %shift_left3A_134 = arith.constant 16 : i32
    %shift_left3A_135 = vector.broadcast %shift_left3A_134 : i32 to vector<16xi32>
    %shift_left3A_136 = arith.shli %bitcast3A_128, %shift_left3A_135 : vector<16xi32>
    %bitcast3A_137 = vector.bitcast %shift_left3A_136 : vector<16xi32> to vector<16xf32>
    %and3A_138 = arith.andi %bitcast3A_128, %broadcast_in_dim3A_14 : vector<16xi32>
    %bitcast3A_139 = vector.bitcast %and3A_138 : vector<16xi32> to vector<16xf32>
    %shift_left3A_140 = arith.constant 16 : i32
    %shift_left3A_141 = vector.broadcast %shift_left3A_140 : i32 to vector<16xi32>
    %shift_left3A_142 = arith.shli %bitcast3A_133, %shift_left3A_141 : vector<16xi32>
    %bitcast3A_143 = vector.bitcast %shift_left3A_142 : vector<16xi32> to vector<16xf32>
    %and3A_144 = arith.andi %bitcast3A_133, %broadcast_in_dim3A_14 : vector<16xi32>
    %bitcast3A_145 = vector.bitcast %and3A_144 : vector<16xi32> to vector<16xf32>
    %swap3A_146 = arith.constant 3 : i32
    %swap3A_147 = arith.index_cast %swap3A_146 : i32 to index
    %swap3A_148 = arith.constant 0 : index
    %swap3A_149 = tpu.vector_load %arg22[%swap3A_147, %swap3A_148] {strides = array<i32>} : memref<8x64xf32, #tpu.memory_space<vmem>>, vector<16xf32>,
    tpu.vector_store %arg22[%swap3A_147, %swap3A_148], %bitcast3A_137 {strides = array<i32>} : memref<8x64xf32, #tpu.memory_space<vmem>>, vector<16xf32>,
    %swap3A_150 = arith.constant 3 : i32
    %swap3A_151 = arith.index_cast %swap3A_150 : i32 to index
    %swap3A_152 = arith.constant 16 : index
    %swap3A_153 = tpu.vector_load %arg22[%swap3A_151, %swap3A_152] {strides = array<i32>} : memref<8x64xf32, #tpu.memory_space<vmem>>, vector<16xf32>,
    tpu.vector_store %arg22[%swap3A_151, %swap3A_152], %bitcast3A_139 {strides = array<i32>} : memref<8x64xf32, #tpu.memory_space<vmem>>, vector<16xf32>,
    %swap3A_154 = arith.constant 3 : i32
    %swap3A_155 = arith.index_cast %swap3A_154 : i32 to index
    %swap3A_156 = arith.constant 32 : index
    %swap3A_157 = tpu.vector_load %arg22[%swap3A_155, %swap3A_156] {strides = array<i32>} : memref<8x64xf32, #tpu.memory_space<vmem>>, vector<16xf32>,
    tpu.vector_store %arg22[%swap3A_155, %swap3A_156], %bitcast3A_143 {strides = array<i32>} : memref<8x64xf32, #tpu.memory_space<vmem>>, vector<16xf32>,
    %swap3A_158 = arith.constant 3 : i32
    %swap3A_159 = arith.index_cast %swap3A_158 : i32 to index
    %swap3A_160 = arith.constant 48 : index
    %swap3A_161 = tpu.vector_load %arg22[%swap3A_159, %swap3A_160] {strides = array<i32>} : memref<8x64xf32, #tpu.memory_space<vmem>>, vector<16xf32>,
    tpu.vector_store %arg22[%swap3A_159, %swap3A_160], %bitcast3A_145 {strides = array<i32>} : memref<8x64xf32, #tpu.memory_space<vmem>>, vector<16xf32>,
    %get3A_162 = arith.constant 4 : i32
    %get3A_163 = arith.index_cast %get3A_162 : i32 to index
    %get3A_164 = arith.constant 0 : index
    %get3A_165 = tpu.vector_load %arg21[%get3A_163, %get3A_164] {strides = array<i32>} : memref<8x64xbf16, #tpu.memory_space<vmem>>, vector<32xbf16>,
    %bitcast3A_166 = vector.bitcast %get3A_165 : vector<32xbf16> to vector<16xi32>
    %get3A_167 = arith.constant 4 : i32
    %get3A_168 = arith.index_cast %get3A_167 : i32 to index
    %get3A_169 = arith.constant 32 : index
    %get3A_170 = tpu.vector_load %arg21[%get3A_168, %get3A_169] {strides = array<i32>} : memref<8x64xbf16, #tpu.memory_space<vmem>>, vector<32xbf16>,
    %bitcast3A_171 = vector.bitcast %get3A_170 : vector<32xbf16> to vector<16xi32>
    %shift_left3A_172 = arith.constant 16 : i32
    %shift_left3A_173 = vector.broadcast %shift_left3A_172 : i32 to vector<16xi32>
    %shift_left3A_174 = arith.shli %bitcast3A_166, %shift_left3A_173 : vector<16xi32>
    %bitcast3A_175 = vector.bitcast %shift_left3A_174 : vector<16xi32> to vector<16xf32>
    %and3A_176 = arith.andi %bitcast3A_166, %broadcast_in_dim3A_14 : vector<16xi32>
    %bitcast3A_177 = vector.bitcast %and3A_176 : vector<16xi32> to vector<16xf32>
    %shift_left3A_178 = arith.constant 16 : i32
    %shift_left3A_179 = vector.broadcast %shift_left3A_178 : i32 to vector<16xi32>
    %shift_left3A_180 = arith.shli %bitcast3A_171, %shift_left3A_179 : vector<16xi32>
    %bitcast3A_181 = vector.bitcast %shift_left3A_180 : vector<16xi32> to vector<16xf32>
    %and3A_182 = arith.andi %bitcast3A_171, %broadcast_in_dim3A_14 : vector<16xi32>
    %bitcast3A_183 = vector.bitcast %and3A_182 : vector<16xi32> to vector<16xf32>
    %swap3A_184 = arith.constant 4 : i32
    %swap3A_185 = arith.index_cast %swap3A_184 : i32 to index
    %swap3A_186 = arith.constant 0 : index
    %swap3A_187 = tpu.vector_load %arg22[%swap3A_185, %swap3A_186] {strides = array<i32>} : memref<8x64xf32, #tpu.memory_space<vmem>>, vector<16xf32>,
    tpu.vector_store %arg22[%swap3A_185, %swap3A_186], %bitcast3A_175 {strides = array<i32>} : memref<8x64xf32, #tpu.memory_space<vmem>>, vector<16xf32>,
    %swap3A_188 = arith.constant 4 : i32
    %swap3A_189 = arith.index_cast %swap3A_188 : i32 to index
    %swap3A_190 = arith.constant 16 : index
    %swap3A_191 = tpu.vector_load %arg22[%swap3A_189, %swap3A_190] {strides = array<i32>} : memref<8x64xf32, #tpu.memory_space<vmem>>, vector<16xf32>,
    tpu.vector_store %arg22[%swap3A_189, %swap3A_190], %bitcast3A_177 {strides = array<i32>} : memref<8x64xf32, #tpu.memory_space<vmem>>, vector<16xf32>,
    %swap3A_192 = arith.constant 4 : i32
    %swap3A_193 = arith.index_cast %swap3A_192 : i32 to index
    %swap3A_194 = arith.constant 32 : index
    %swap3A_195 = tpu.vector_load %arg22[%swap3A_193, %swap3A_194] {strides = array<i32>} : memref<8x64xf32, #tpu.memory_space<vmem>>, vector<16xf32>,
    tpu.vector_store %arg22[%swap3A_193, %swap3A_194], %bitcast3A_181 {strides = array<i32>} : memref<8x64xf32, #tpu.memory_space<vmem>>, vector<16xf32>,
    %swap3A_196 = arith.constant 4 : i32
    %swap3A_197 = arith.index_cast %swap3A_196 : i32 to index
    %swap3A_198 = arith.constant 48 : index
    %swap3A_199 = tpu.vector_load %arg22[%swap3A_197, %swap3A_198] {strides = array<i32>} : memref<8x64xf32, #tpu.memory_space<vmem>>, vector<16xf32>,
    tpu.vector_store %arg22[%swap3A_197, %swap3A_198], %bitcast3A_183 {strides = array<i32>} : memref<8x64xf32, #tpu.memory_space<vmem>>, vector<16xf32>,
    %get3A_200 = arith.constant 5 : i32
    %get3A_201 = arith.index_cast %get3A_200 : i32 to index
    %get3A_202 = arith.constant 0 : index
    %get3A_203 = tpu.vector_load %arg21[%get3A_201, %get3A_202] {strides = array<i32>} : memref<8x64xbf16, #tpu.memory_space<vmem>>, vector<32xbf16>,
    %bitcast3A_204 = vector.bitcast %get3A_203 : vector<32xbf16> to vector<16xi32>
    %get3A_205 = arith.constant 5 : i32
    %get3A_206 = arith.index_cast %get3A_205 : i32 to index
    %get3A_207 = arith.constant 32 : index
    %get3A_208 = tpu.vector_load %arg21[%get3A_206, %get3A_207] {strides = array<i32>} : memref<8x64xbf16, #tpu.memory_space<vmem>>, vector<32xbf16>,
    %bitcast3A_209 = vector.bitcast %get3A_208 : vector<32xbf16> to vector<16xi32>
    %shift_left3A_210 = arith.constant 16 : i32
    %shift_left3A_211 = vector.broadcast %shift_left3A_210 : i32 to vector<16xi32>
    %shift_left3A_212 = arith.shli %bitcast3A_204, %shift_left3A_211 : vector<16xi32>
    %bitcast3A_213 = vector.bitcast %shift_left3A_212 : vector<16xi32> to vector<16xf32>
    %and3A_214 = arith.andi %bitcast3A_204, %broadcast_in_dim3A_14 : vector<16xi32>
    %bitcast3A_215 = vector.bitcast %and3A_214 : vector<16xi32> to vector<16xf32>
    %shift_left3A_216 = arith.constant 16 : i32
    %shift_left3A_217 = vector.broadcast %shift_left3A_216 : i32 to vector<16xi32>
    %shift_left3A_218 = arith.shli %bitcast3A_209, %shift_left3A_217 : vector<16xi32>
    %bitcast3A_219 = vector.bitcast %shift_left3A_218 : vector<16xi32> to vector<16xf32>
    %and3A_220 = arith.andi %bitcast3A_209, %broadcast_in_dim3A_14 : vector<16xi32>
    %bitcast3A_221 = vector.bitcast %and3A_220 : vector<16xi32> to vector<16xf32>
    %swap3A_222 = arith.constant 5 : i32
    %swap3A_223 = arith.index_cast %swap3A_222 : i32 to index
    %swap3A_224 = arith.constant 0 : index
    %swap3A_225 = tpu.vector_load %arg22[%swap3A_223, %swap3A_224] {strides = array<i32>} : memref<8x64xf32, #tpu.memory_space<vmem>>, vector<16xf32>,
    tpu.vector_store %arg22[%swap3A_223, %swap3A_224], %bitcast3A_213 {strides = array<i32>} : memref<8x64xf32, #tpu.memory_space<vmem>>, vector<16xf32>,
    %swap3A_226 = arith.constant 5 : i32
    %swap3A_227 = arith.index_cast %swap3A_226 : i32 to index
    %swap3A_228 = arith.constant 16 : index
    %swap3A_229 = tpu.vector_load %arg22[%swap3A_227, %swap3A_228] {strides = array<i32>} : memref<8x64xf32, #tpu.memory_space<vmem>>, vector<16xf32>,
    tpu.vector_store %arg22[%swap3A_227, %swap3A_228], %bitcast3A_215 {strides = array<i32>} : memref<8x64xf32, #tpu.memory_space<vmem>>, vector<16xf32>,
    %swap3A_230 = arith.constant 5 : i32
    %swap3A_231 = arith.index_cast %swap3A_230 : i32 to index
    %swap3A_232 = arith.constant 32 : index
    %swap3A_233 = tpu.vector_load %arg22[%swap3A_231, %swap3A_232] {strides = array<i32>} : memref<8x64xf32, #tpu.memory_space<vmem>>, vector<16xf32>,
    tpu.vector_store %arg22[%swap3A_231, %swap3A_232], %bitcast3A_219 {strides = array<i32>} : memref<8x64xf32, #tpu.memory_space<vmem>>, vector<16xf32>,
    %swap3A_234 = arith.constant 5 : i32
    %swap3A_235 = arith.index_cast %swap3A_234 : i32 to index
    %swap3A_236 = arith.constant 48 : index
    %swap3A_237 = tpu.vector_load %arg22[%swap3A_235, %swap3A_236] {strides = array<i32>} : memref<8x64xf32, #tpu.memory_space<vmem>>, vector<16xf32>,
    tpu.vector_store %arg22[%swap3A_235, %swap3A_236], %bitcast3A_221 {strides = array<i32>} : memref<8x64xf32, #tpu.memory_space<vmem>>, vector<16xf32>,
    %get3A_238 = arith.constant 6 : i32
    %get3A_239 = arith.index_cast %get3A_238 : i32 to index
    %get3A_240 = arith.constant 0 : index
    %get3A_241 = tpu.vector_load %arg21[%get3A_239, %get3A_240] {strides = array<i32>} : memref<8x64xbf16, #tpu.memory_space<vmem>>, vector<32xbf16>,
    %bitcast3A_242 = vector.bitcast %get3A_241 : vector<32xbf16> to vector<16xi32>
    %get3A_243 = arith.constant 6 : i32
    %get3A_244 = arith.index_cast %get3A_243 : i32 to index
    %get3A_245 = arith.constant 32 : index
    %get3A_246 = tpu.vector_load %arg21[%get3A_244, %get3A_245] {strides = array<i32>} : memref<8x64xbf16, #tpu.memory_space<vmem>>, vector<32xbf16>,
    %bitcast3A_247 = vector.bitcast %get3A_246 : vector<32xbf16> to vector<16xi32>
    %shift_left3A_248 = arith.constant 16 : i32
    %shift_left3A_249 = vector.broadcast %shift_left3A_248 : i32 to vector<16xi32>
    %shift_left3A_250 = arith.shli %bitcast3A_242, %shift_left3A_249 : vector<16xi32>
    %bitcast3A_251 = vector.bitcast %shift_left3A_250 : vector<16xi32> to vector<16xf32>
    %and3A_252 = arith.andi %bitcast3A_242, %broadcast_in_dim3A_14 : vector<16xi32>
    %bitcast3A_253 = vector.bitcast %and3A_252 : vector<16xi32> to vector<16xf32>
    %shift_left3A_254 = arith.constant 16 : i32
    %shift_left3A_255 = vector.broadcast %shift_left3A_254 : i32 to vector<16xi32>
    %shift_left3A_256 = arith.shli %bitcast3A_247, %shift_left3A_255 : vector<16xi32>
    %bitcast3A_257 = vector.bitcast %shift_left3A_256 : vector<16xi32> to vector<16xf32>
    %and3A_258 = arith.andi %bitcast3A_247, %broadcast_in_dim3A_14 : vector<16xi32>
    %bitcast3A_259 = vector.bitcast %and3A_258 : vector<16xi32> to vector<16xf32>
    %swap3A_260 = arith.constant 6 : i32
    %swap3A_261 = arith.index_cast %swap3A_260 : i32 to index
    %swap3A_262 = arith.constant 0 : index
    %swap3A_263 = tpu.vector_load %arg22[%swap3A_261, %swap3A_262] {strides = array<i32>} : memref<8x64xf32, #tpu.memory_space<vmem>>, vector<16xf32>,
    tpu.vector_store %arg22[%swap3A_261, %swap3A_262], %bitcast3A_251 {strides = array<i32>} : memref<8x64xf32, #tpu.memory_space<vmem>>, vector<16xf32>,
    %swap3A_264 = arith.constant 6 : i32
    %swap3A_265 = arith.index_cast %swap3A_264 : i32 to index
    %swap3A_266 = arith.constant 16 : index
    %swap3A_267 = tpu.vector_load %arg22[%swap3A_265, %swap3A_266] {strides = array<i32>} : memref<8x64xf32, #tpu.memory_space<vmem>>, vector<16xf32>,
    tpu.vector_store %arg22[%swap3A_265, %swap3A_266], %bitcast3A_253 {strides = array<i32>} : memref<8x64xf32, #tpu.memory_space<vmem>>, vector<16xf32>,
    %swap3A_268 = arith.constant 6 : i32
    %swap3A_269 = arith.index_cast %swap3A_268 : i32 to index
    %swap3A_270 = arith.constant 32 : index
    %swap3A_271 = tpu.vector_load %arg22[%swap3A_269, %swap3A_270] {strides = array<i32>} : memref<8x64xf32, #tpu.memory_space<vmem>>, vector<16xf32>,
    tpu.vector_store %arg22[%swap3A_269, %swap3A_270], %bitcast3A_257 {strides = array<i32>} : memref<8x64xf32, #tpu.memory_space<vmem>>, vector<16xf32>,
    %swap3A_272 = arith.constant 6 : i32
    %swap3A_273 = arith.index_cast %swap3A_272 : i32 to index
    %swap3A_274 = arith.constant 48 : index
    %swap3A_275 = tpu.vector_load %arg22[%swap3A_273, %swap3A_274] {strides = array<i32>} : memref<8x64xf32, #tpu.memory_space<vmem>>, vector<16xf32>,
    tpu.vector_store %arg22[%swap3A_273, %swap3A_274], %bitcast3A_259 {strides = array<i32>} : memref<8x64xf32, #tpu.memory_space<vmem>>, vector<16xf32>,
    %get3A_276 = arith.constant 7 : i32
    %get3A_277 = arith.index_cast %get3A_276 : i32 to index
    %get3A_278 = arith.constant 0 : index
    %get3A_279 = tpu.vector_load %arg21[%get3A_277, %get3A_278] {strides = array<i32>} : memref<8x64xbf16, #tpu.memory_space<vmem>>, vector<32xbf16>,
    %bitcast3A_280 = vector.bitcast %get3A_279 : vector<32xbf16> to vector<16xi32>
    %get3A_281 = arith.constant 7 : i32
    %get3A_282 = arith.index_cast %get3A_281 : i32 to index
    %get3A_283 = arith.constant 32 : index
    %get3A_284 = tpu.vector_load %arg21[%get3A_282, %get3A_283] {strides = array<i32>} : memref<8x64xbf16, #tpu.memory_space<vmem>>, vector<32xbf16>,
    %bitcast3A_285 = vector.bitcast %get3A_284 : vector<32xbf16> to vector<16xi32>
    %shift_left3A_286 = arith.constant 16 : i32
    %shift_left3A_287 = vector.broadcast %shift_left3A_286 : i32 to vector<16xi32>
    %shift_left3A_288 = arith.shli %bitcast3A_280, %shift_left3A_287 : vector<16xi32>
    %bitcast3A_289 = vector.bitcast %shift_left3A_288 : vector<16xi32> to vector<16xf32>
    %and3A_290 = arith.andi %bitcast3A_280, %broadcast_in_dim3A_14 : vector<16xi32>
    %bitcast3A_291 = vector.bitcast %and3A_290 : vector<16xi32> to vector<16xf32>
    %shift_left3A_292 = arith.constant 16 : i32
    %shift_left3A_293 = vector.broadcast %shift_left3A_292 : i32 to vector<16xi32>
    %shift_left3A_294 = arith.shli %bitcast3A_285, %shift_left3A_293 : vector<16xi32>
    %bitcast3A_295 = vector.bitcast %shift_left3A_294 : vector<16xi32> to vector<16xf32>
    %and3A_296 = arith.andi %bitcast3A_285, %broadcast_in_dim3A_14 : vector<16xi32>
    %bitcast3A_297 = vector.bitcast %and3A_296 : vector<16xi32> to vector<16xf32>
    %swap3A_298 = arith.constant 7 : i32
    %swap3A_299 = arith.index_cast %swap3A_298 : i32 to index
    %swap3A_300 = arith.constant 0 : index
    %swap3A_301 = tpu.vector_load %arg22[%swap3A_299, %swap3A_300] {strides = array<i32>} : memref<8x64xf32, #tpu.memory_space<vmem>>, vector<16xf32>,
    tpu.vector_store %arg22[%swap3A_299, %swap3A_300], %bitcast3A_289 {strides = array<i32>} : memref<8x64xf32, #tpu.memory_space<vmem>>, vector<16xf32>,
    %swap3A_302 = arith.constant 7 : i32
    %swap3A_303 = arith.index_cast %swap3A_302 : i32 to index
    %swap3A_304 = arith.constant 16 : index
    %swap3A_305 = tpu.vector_load %arg22[%swap3A_303, %swap3A_304] {strides = array<i32>} : memref<8x64xf32, #tpu.memory_space<vmem>>, vector<16xf32>,
    tpu.vector_store %arg22[%swap3A_303, %swap3A_304], %bitcast3A_291 {strides = array<i32>} : memref<8x64xf32, #tpu.memory_space<vmem>>, vector<16xf32>,
    %swap3A_306 = arith.constant 7 : i32
    %swap3A_307 = arith.index_cast %swap3A_306 : i32 to index
    %swap3A_308 = arith.constant 32 : index
    %swap3A_309 = tpu.vector_load %arg22[%swap3A_307, %swap3A_308] {strides = array<i32>} : memref<8x64xf32, #tpu.memory_space<vmem>>, vector<16xf32>,
    tpu.vector_store %arg22[%swap3A_307, %swap3A_308], %bitcast3A_295 {strides = array<i32>} : memref<8x64xf32, #tpu.memory_space<vmem>>, vector<16xf32>,
    %swap3A_310 = arith.constant 7 : i32
    %swap3A_311 = arith.index_cast %swap3A_310 : i32 to index
    %swap3A_312 = arith.constant 48 : index
    %swap3A_313 = tpu.vector_load %arg22[%swap3A_311, %swap3A_312] {strides = array<i32>} : memref<8x64xf32, #tpu.memory_space<vmem>>, vector<16xf32>,
    tpu.vector_store %arg22[%swap3A_311, %swap3A_312], %bitcast3A_297 {strides = array<i32>} : memref<8x64xf32, #tpu.memory_space<vmem>>, vector<16xf32>,
    %barrier3A = arith.constant 0 : index
    tpu.barrier barrier_id(%barrier3A)
    %iota3A = tpu.iota {dimensions = array<i32: 0>} : vector<16xi32>
    %eq3A_314 = arith.constant 0 : i32
    %eq3A_315 = arith.cmpi eq, %arg0, %eq3A_314 : i32
    %convert_element_type3A_316 = arith.extui %eq3A_315 : i1 to i32
    %cond3A_317 = arith.constant 0 : i32
    %cond3A_318 = arith.cmpi ne, %convert_element_type3A_316, %cond3A_317 : i32
    scf.if %cond3A_318 {
      %dma_start3A_426 = arith.constant 0 : i32
      %dma_start3A_427 = arith.constant 0 : i32
      %dma_start3A_428 = arith.constant 0 : i32
      %dma_start3A_429 = tpu.memref_slice %arg16[%dma_start3A_426, %dma_start3A_427, %dma_start3A_428] : memref<2x32x56xi32, #tpu.memory_space<vmem>> -> memref<1x32x56xi32, #tpu.memory_space<vmem>>
      %dma_start3A_430 = tpu.memref_squeeze %dma_start3A_429 : memref<1x32x56xi32, #tpu.memory_space<vmem>> -> memref<32x56xi32, #tpu.memory_space<vmem>>
      %dma_start3A_431 = arith.constant 0 : i32
      %dma_start3A_432 = tpu.memref_slice %arg14[%dma_start3A_431] : memref<256xi32, #tpu.memory_space<vmem>> -> memref<32xi32, #tpu.memory_space<vmem>>
      %dma_start3A_433 = arith.constant 0 : i32
      %dma_start3A_434 = arith.constant 0 : i32
      %dma_start3A_435 = tpu.memref_slice %arg3[%dma_start3A_433, %dma_start3A_434] : memref<100000x56xi32, #tpu.memory_space<hbm>> -> memref<100000x56xi32, #tpu.memory_space<hbm>>
      tpu.enqueue_indirect_dma source(%dma_start3A_435 : memref<100000x56xi32, #tpu.memory_space<hbm>>) target(%dma_start3A_430 : memref<32x56xi32, #tpu.memory_space<vmem>>) offsets(%dma_start3A_432 : memref<32xi32, #tpu.memory_space<vmem>>) semaphore(%arg25 : memref<!tpu.dma_semaphore, #tpu.memory_space<semaphore_mem>>)
    } else {
    }
    %eq3A_319 = arith.constant 1 : i32
    %eq3A_320 = arith.cmpi eq, %arg0, %eq3A_319 : i32
    %convert_element_type3A_321 = arith.extui %eq3A_320 : i1 to i32
    %cond3A_322 = arith.constant 0 : i32
    %cond3A_323 = arith.cmpi ne, %convert_element_type3A_321, %cond3A_322 : i32
    scf.if %cond3A_323 {
      %dma_start3A_426 = arith.constant 0 : i32
      %dma_start3A_427 = arith.constant 0 : i32
      %dma_start3A_428 = arith.constant 0 : i32
      %dma_start3A_429 = tpu.memref_slice %arg16[%dma_start3A_426, %dma_start3A_427, %dma_start3A_428] : memref<2x32x56xi32, #tpu.memory_space<vmem>> -> memref<1x32x56xi32, #tpu.memory_space<vmem>>
      %dma_start3A_430 = tpu.memref_squeeze %dma_start3A_429 : memref<1x32x56xi32, #tpu.memory_space<vmem>> -> memref<32x56xi32, #tpu.memory_space<vmem>>
      %dma_start3A_431 = arith.constant 0 : i32
      %dma_start3A_432 = tpu.memref_slice %arg14[%dma_start3A_431] : memref<256xi32, #tpu.memory_space<vmem>> -> memref<32xi32, #tpu.memory_space<vmem>>
      %dma_start3A_433 = arith.constant 0 : i32
      %dma_start3A_434 = arith.constant 0 : i32
      %dma_start3A_435 = tpu.memref_slice %arg4[%dma_start3A_433, %dma_start3A_434] : memref<100000x56xi32, #tpu.memory_space<hbm>> -> memref<100000x56xi32, #tpu.memory_space<hbm>>
      tpu.enqueue_indirect_dma source(%dma_start3A_435 : memref<100000x56xi32, #tpu.memory_space<hbm>>) target(%dma_start3A_430 : memref<32x56xi32, #tpu.memory_space<vmem>>) offsets(%dma_start3A_432 : memref<32xi32, #tpu.memory_space<vmem>>) semaphore(%arg25 : memref<!tpu.dma_semaphore, #tpu.memory_space<semaphore_mem>>)
    } else {
    }
    %dma_start3A = arith.constant 0 : i32
    %dma_start3A_324 = arith.constant 0 : i32
    %dma_start3A_325 = arith.constant 0 : i32
    %dma_start3A_326 = tpu.memref_slice %arg17[%dma_start3A, %dma_start3A_324, %dma_start3A_325] : memref<2x32x64xi32, #tpu.memory_space<vmem>> -> memref<1x32x64xi32, #tpu.memory_space<vmem>>
    %dma_start3A_327 = tpu.memref_squeeze %dma_start3A_326 : memref<1x32x64xi32, #tpu.memory_space<vmem>> -> memref<32x64xi32, #tpu.memory_space<vmem>>
    %dma_start3A_328 = arith.constant 0 : i32
    %dma_start3A_329 = tpu.memref_slice %arg14[%dma_start3A_328] : memref<256xi32, #tpu.memory_space<vmem>> -> memref<32xi32, #tpu.memory_space<vmem>>
    %dma_start3A_330 = arith.constant 0 : i32
    %dma_start3A_331 = arith.constant 0 : i32
    %dma_start3A_332 = tpu.memref_slice %arg5[%dma_start3A_330, %dma_start3A_331] : memref<100000x64xi32, #tpu.memory_space<hbm>> -> memref<100000x64xi32, #tpu.memory_space<hbm>>
    tpu.enqueue_indirect_dma source(%dma_start3A_332 : memref<100000x64xi32, #tpu.memory_space<hbm>>) target(%dma_start3A_327 : memref<32x64xi32, #tpu.memory_space<vmem>>) offsets(%dma_start3A_329 : memref<32xi32, #tpu.memory_space<vmem>>) semaphore(%arg26 : memref<!tpu.dma_semaphore, #tpu.memory_space<semaphore_mem>>)
    %eq3A_333 = arith.constant 0 : i32
    %eq3A_334 = arith.cmpi eq, %arg0, %eq3A_333 : i32
    %convert_element_type3A_335 = arith.extui %eq3A_334 : i1 to i32
    %cond3A_336 = arith.constant 0 : i32
    %cond3A_337 = arith.cmpi ne, %convert_element_type3A_335, %cond3A_336 : i32
    scf.if %cond3A_337 {
      %dma_wait3A_426 = arith.constant 0 : i32
      %dma_wait3A_427 = arith.constant 0 : i32
      %dma_wait3A_428 = arith.constant 0 : i32
      %dma_wait3A_429 = tpu.memref_slice %arg16[%dma_wait3A_426, %dma_wait3A_427, %dma_wait3A_428] : memref<2x32x56xi32, #tpu.memory_space<vmem>> -> memref<1x32x56xi32, #tpu.memory_space<vmem>>
      %dma_wait3A_430 = tpu.memref_squeeze %dma_wait3A_429 : memref<1x32x56xi32, #tpu.memory_space<vmem>> -> memref<32x56xi32, #tpu.memory_space<vmem>>
      %dma_wait3A_431 = arith.constant 0 : i32
      %dma_wait3A_432 = tpu.memref_slice %arg14[%dma_wait3A_431] : memref<256xi32, #tpu.memory_space<vmem>> -> memref<32xi32, #tpu.memory_space<vmem>>
      %dma_wait3A_433 = arith.constant 0 : i32
      %dma_wait3A_434 = arith.constant 0 : i32
      %dma_wait3A_435 = tpu.memref_slice %arg3[%dma_wait3A_433, %dma_wait3A_434] : memref<100000x56xi32, #tpu.memory_space<hbm>> -> memref<100000x56xi32, #tpu.memory_space<hbm>>
      tpu.wait_indirect_dma semaphore(%arg25 : memref<!tpu.dma_semaphore, #tpu.memory_space<semaphore_mem>>) src(%dma_wait3A_435 : memref<100000x56xi32, #tpu.memory_space<hbm>>) dst(%dma_wait3A_430 : memref<32x56xi32, #tpu.memory_space<vmem>>)
    } else {
    }
    %eq3A_338 = arith.constant 1 : i32
    %eq3A_339 = arith.cmpi eq, %arg0, %eq3A_338 : i32
    %convert_element_type3A_340 = arith.extui %eq3A_339 : i1 to i32
    %cond3A_341 = arith.constant 0 : i32
    %cond3A_342 = arith.cmpi ne, %convert_element_type3A_340, %cond3A_341 : i32
    scf.if %cond3A_342 {
      %dma_wait3A_426 = arith.constant 0 : i32
      %dma_wait3A_427 = arith.constant 0 : i32
      %dma_wait3A_428 = arith.constant 0 : i32
      %dma_wait3A_429 = tpu.memref_slice %arg16[%dma_wait3A_426, %dma_wait3A_427, %dma_wait3A_428] : memref<2x32x56xi32, #tpu.memory_space<vmem>> -> memref<1x32x56xi32, #tpu.memory_space<vmem>>
      %dma_wait3A_430 = tpu.memref_squeeze %dma_wait3A_429 : memref<1x32x56xi32, #tpu.memory_space<vmem>> -> memref<32x56xi32, #tpu.memory_space<vmem>>
      %dma_wait3A_431 = arith.constant 0 : i32
      %dma_wait3A_432 = tpu.memref_slice %arg14[%dma_wait3A_431] : memref<256xi32, #tpu.memory_space<vmem>> -> memref<32xi32, #tpu.memory_space<vmem>>
      %dma_wait3A_433 = arith.constant 0 : i32
      %dma_wait3A_434 = arith.constant 0 : i32
      %dma_wait3A_435 = tpu.memref_slice %arg4[%dma_wait3A_433, %dma_wait3A_434] : memref<100000x56xi32, #tpu.memory_space<hbm>> -> memref<100000x56xi32, #tpu.memory_space<hbm>>
      tpu.wait_indirect_dma semaphore(%arg25 : memref<!tpu.dma_semaphore, #tpu.memory_space<semaphore_mem>>) src(%dma_wait3A_435 : memref<100000x56xi32, #tpu.memory_space<hbm>>) dst(%dma_wait3A_430 : memref<32x56xi32, #tpu.memory_space<vmem>>)
    } else {
    }
    %dma_wait3A = arith.constant 0 : i32
    %dma_wait3A_343 = arith.constant 0 : i32
    %dma_wait3A_344 = arith.constant 0 : i32
    %dma_wait3A_345 = tpu.memref_slice %arg17[%dma_wait3A, %dma_wait3A_343, %dma_wait3A_344] : memref<2x32x64xi32, #tpu.memory_space<vmem>> -> memref<1x32x64xi32, #tpu.memory_space<vmem>>
    %dma_wait3A_346 = tpu.memref_squeeze %dma_wait3A_345 : memref<1x32x64xi32, #tpu.memory_space<vmem>> -> memref<32x64xi32, #tpu.memory_space<vmem>>
    %dma_wait3A_347 = arith.constant 0 : i32
    %dma_wait3A_348 = tpu.memref_slice %arg14[%dma_wait3A_347] : memref<256xi32, #tpu.memory_space<vmem>> -> memref<32xi32, #tpu.memory_space<vmem>>
    %dma_wait3A_349 = arith.constant 0 : i32
    %dma_wait3A_350 = arith.constant 0 : i32
    %dma_wait3A_351 = tpu.memref_slice %arg5[%dma_wait3A_349, %dma_wait3A_350] : memref<100000x64xi32, #tpu.memory_space<hbm>> -> memref<100000x64xi32, #tpu.memory_space<hbm>>
    tpu.wait_indirect_dma semaphore(%arg26 : memref<!tpu.dma_semaphore, #tpu.memory_space<semaphore_mem>>) src(%dma_wait3A_351 : memref<100000x64xi32, #tpu.memory_space<hbm>>) dst(%dma_wait3A_346 : memref<32x64xi32, #tpu.memory_space<vmem>>)
    %eq3A_352 = arith.constant 0 : i32
    %eq3A_353 = arith.cmpi eq, %arg0, %eq3A_352 : i32
    %convert_element_type3A_354 = arith.extui %eq3A_353 : i1 to i32
    %cond3A_355 = arith.constant 0 : i32
    %cond3A_356 = arith.cmpi ne, %convert_element_type3A_354, %cond3A_355 : i32
    scf.if %cond3A_356 {
      %dma_start3A_426 = arith.constant 1 : i32
      %dma_start3A_427 = arith.constant 0 : i32
      %dma_start3A_428 = arith.constant 0 : i32
      %dma_start3A_429 = tpu.memref_slice %arg16[%dma_start3A_426, %dma_start3A_427, %dma_start3A_428] : memref<2x32x56xi32, #tpu.memory_space<vmem>> -> memref<1x32x56xi32, #tpu.memory_space<vmem>>
      %dma_start3A_430 = tpu.memref_squeeze %dma_start3A_429 : memref<1x32x56xi32, #tpu.memory_space<vmem>> -> memref<32x56xi32, #tpu.memory_space<vmem>>
      %dma_start3A_431 = arith.constant 32 : i32
      %dma_start3A_432 = tpu.memref_slice %arg14[%dma_start3A_431] : memref<256xi32, #tpu.memory_space<vmem>> -> memref<32xi32, #tpu.memory_space<vmem>>
      %dma_start3A_433 = arith.constant 0 : i32
      %dma_start3A_434 = arith.constant 0 : i32
      %dma_start3A_435 = tpu.memref_slice %arg3[%dma_start3A_433, %dma_start3A_434] : memref<100000x56xi32, #tpu.memory_space<hbm>> -> memref<100000x56xi32, #tpu.memory_space<hbm>>
      tpu.enqueue_indirect_dma source(%dma_start3A_435 : memref<100000x56xi32, #tpu.memory_space<hbm>>) target(%dma_start3A_430 : memref<32x56xi32, #tpu.memory_space<vmem>>) offsets(%dma_start3A_432 : memref<32xi32, #tpu.memory_space<vmem>>) semaphore(%arg25 : memref<!tpu.dma_semaphore, #tpu.memory_space<semaphore_mem>>)
    } else {
    }
    %eq3A_357 = arith.constant 1 : i32
    %eq3A_358 = arith.cmpi eq, %arg0, %eq3A_357 : i32
    %convert_element_type3A_359 = arith.extui %eq3A_358 : i1 to i32
    %cond3A_360 = arith.constant 0 : i32
    %cond3A_361 = arith.cmpi ne, %convert_element_type3A_359, %cond3A_360 : i32
    scf.if %cond3A_361 {
      %dma_start3A_426 = arith.constant 1 : i32
      %dma_start3A_427 = arith.constant 0 : i32
      %dma_start3A_428 = arith.constant 0 : i32
      %dma_start3A_429 = tpu.memref_slice %arg16[%dma_start3A_426, %dma_start3A_427, %dma_start3A_428] : memref<2x32x56xi32, #tpu.memory_space<vmem>> -> memref<1x32x56xi32, #tpu.memory_space<vmem>>
      %dma_start3A_430 = tpu.memref_squeeze %dma_start3A_429 : memref<1x32x56xi32, #tpu.memory_space<vmem>> -> memref<32x56xi32, #tpu.memory_space<vmem>>
      %dma_start3A_431 = arith.constant 32 : i32
      %dma_start3A_432 = tpu.memref_slice %arg14[%dma_start3A_431] : memref<256xi32, #tpu.memory_space<vmem>> -> memref<32xi32, #tpu.memory_space<vmem>>
      %dma_start3A_433 = arith.constant 0 : i32
      %dma_start3A_434 = arith.constant 0 : i32
      %dma_start3A_435 = tpu.memref_slice %arg4[%dma_start3A_433, %dma_start3A_434] : memref<100000x56xi32, #tpu.memory_space<hbm>> -> memref<100000x56xi32, #tpu.memory_space<hbm>>
      tpu.enqueue_indirect_dma source(%dma_start3A_435 : memref<100000x56xi32, #tpu.memory_space<hbm>>) target(%dma_start3A_430 : memref<32x56xi32, #tpu.memory_space<vmem>>) offsets(%dma_start3A_432 : memref<32xi32, #tpu.memory_space<vmem>>) semaphore(%arg25 : memref<!tpu.dma_semaphore, #tpu.memory_space<semaphore_mem>>)
    } else {
    }
    %dma_start3A_362 = arith.constant 1 : i32
    %dma_start3A_363 = arith.constant 0 : i32
    %dma_start3A_364 = arith.constant 0 : i32
    %dma_start3A_365 = tpu.memref_slice %arg17[%dma_start3A_362, %dma_start3A_363, %dma_start3A_364] : memref<2x32x64xi32, #tpu.memory_space<vmem>> -> memref<1x32x64xi32, #tpu.memory_space<vmem>>
    %dma_start3A_366 = tpu.memref_squeeze %dma_start3A_365 : memref<1x32x64xi32, #tpu.memory_space<vmem>> -> memref<32x64xi32, #tpu.memory_space<vmem>>
    %dma_start3A_367 = arith.constant 32 : i32
    %dma_start3A_368 = tpu.memref_slice %arg14[%dma_start3A_367] : memref<256xi32, #tpu.memory_space<vmem>> -> memref<32xi32, #tpu.memory_space<vmem>>
    %dma_start3A_369 = arith.constant 0 : i32
    %dma_start3A_370 = arith.constant 0 : i32
    %dma_start3A_371 = tpu.memref_slice %arg5[%dma_start3A_369, %dma_start3A_370] : memref<100000x64xi32, #tpu.memory_space<hbm>> -> memref<100000x64xi32, #tpu.memory_space<hbm>>
    tpu.enqueue_indirect_dma source(%dma_start3A_371 : memref<100000x64xi32, #tpu.memory_space<hbm>>) target(%dma_start3A_366 : memref<32x64xi32, #tpu.memory_space<vmem>>) offsets(%dma_start3A_368 : memref<32xi32, #tpu.memory_space<vmem>>) semaphore(%arg26 : memref<!tpu.dma_semaphore, #tpu.memory_space<semaphore_mem>>)
    %scan3A = arith.constant 0 : i32
    %scan3A_372 = arith.constant 0 : i32
    %scan3A_373 = arith.constant 8 : i32
    %scan3A_374 = arith.addi %scan3A_372, %scan3A_373 : i32
    %scan3A_375 = arith.constant 1 : i32
    %scan3A_376 = scf.for %scan3A_426 = %scan3A_372 to %scan3A_374 step %scan3A_375 iter_args(%scan3A_427 = %scan3A) -> (i32)  : i32 {
      %rem3A = arith.constant 2 : i32
      %rem3A_428 = arith.remsi %scan3A_426, %rem3A : i32
      %dma_start3A_429 = arith.constant 0 : i32
      %dma_start3A_430 = arith.constant 0 : i32
      %dma_start3A_431 = arith.constant 0 : i32
      %dma_start3A_432 = arith.constant 0 : i32
      %dma_start3A_433 = arith.constant 0 : i32
      %dma_start3A_434 = tpu.memref_slice %arg20[%dma_start3A_430, %dma_start3A_431, %dma_start3A_432, %dma_start3A_433] : memref<2x2x56x64xbf16, #tpu.memory_space<vmem>> -> memref<1x1x56x64xbf16, #tpu.memory_space<vmem>>
      %dma_start3A_435 = tpu.memref_squeeze %dma_start3A_434 : memref<1x1x56x64xbf16, #tpu.memory_space<vmem>> -> memref<56x64xbf16, #tpu.memory_space<vmem>>
      %dma_start3A_436 = arith.constant 0 : i32
      %dma_start3A_437 = tpu.memref_slice %arg16[%rem3A_428, %dma_start3A_429, %dma_start3A_436] : memref<2x32x56xi32, #tpu.memory_space<vmem>> -> memref<1x1x56xi32, #tpu.memory_space<vmem>>
      %dma_start3A_438 = tpu.memref_squeeze %dma_start3A_437 : memref<1x1x56xi32, #tpu.memory_space<vmem>> -> memref<56xi32, #tpu.memory_space<vmem>>
      %dma_start3A_439 = arith.constant 0 : i32
      %dma_start3A_440 = arith.constant 0 : i32
      %dma_start3A_441 = tpu.memref_slice %arg13[%dma_start3A_439, %dma_start3A_440] : memref<50008x64xbf16, #tpu.memory_space<vmem_shared>> -> memref<50008x64xbf16, #tpu.memory_space<vmem_shared>>
      tpu.enqueue_indirect_dma source(%dma_start3A_441 : memref<50008x64xbf16, #tpu.memory_space<vmem_shared>>) target(%dma_start3A_435 : memref<56x64xbf16, #tpu.memory_space<vmem>>) offsets(%dma_start3A_438 : memref<56xi32, #tpu.memory_space<vmem>>) semaphore(%arg23 : memref<!tpu.dma_semaphore, #tpu.memory_space<semaphore_mem>>)
      %dma_start3A_442 = arith.constant 1 : i32
      %dma_start3A_443 = arith.constant 0 : i32
      %dma_start3A_444 = arith.constant 1 : i32
      %dma_start3A_445 = arith.constant 0 : i32
      %dma_start3A_446 = arith.constant 0 : i32
      %dma_start3A_447 = tpu.memref_slice %arg20[%dma_start3A_443, %dma_start3A_444, %dma_start3A_445, %dma_start3A_446] : memref<2x2x56x64xbf16, #tpu.memory_space<vmem>> -> memref<1x1x56x64xbf16, #tpu.memory_space<vmem>>
      %dma_start3A_448 = tpu.memref_squeeze %dma_start3A_447 : memref<1x1x56x64xbf16, #tpu.memory_space<vmem>> -> memref<56x64xbf16, #tpu.memory_space<vmem>>
      %dma_start3A_449 = arith.constant 0 : i32
      %dma_start3A_450 = tpu.memref_slice %arg16[%rem3A_428, %dma_start3A_442, %dma_start3A_449] : memref<2x32x56xi32, #tpu.memory_space<vmem>> -> memref<1x1x56xi32, #tpu.memory_space<vmem>>
      %dma_start3A_451 = tpu.memref_squeeze %dma_start3A_450 : memref<1x1x56xi32, #tpu.memory_space<vmem>> -> memref<56xi32, #tpu.memory_space<vmem>>
      %dma_start3A_452 = arith.constant 0 : i32
      %dma_start3A_453 = arith.constant 0 : i32
      %dma_start3A_454 = tpu.memref_slice %arg13[%dma_start3A_452, %dma_start3A_453] : memref<50008x64xbf16, #tpu.memory_space<vmem_shared>> -> memref<50008x64xbf16, #tpu.memory_space<vmem_shared>>
      tpu.enqueue_indirect_dma source(%dma_start3A_454 : memref<50008x64xbf16, #tpu.memory_space<vmem_shared>>) target(%dma_start3A_448 : memref<56x64xbf16, #tpu.memory_space<vmem>>) offsets(%dma_start3A_451 : memref<56xi32, #tpu.memory_space<vmem>>) semaphore(%arg23 : memref<!tpu.dma_semaphore, #tpu.memory_space<semaphore_mem>>)
      %scan3A_455 = arith.constant 0 : i32
      %scan3A_456 = arith.constant 0 : i32
      %scan3A_457 = arith.constant 16 : i32
      %scan3A_458 = arith.addi %scan3A_456, %scan3A_457 : i32
      %scan3A_459 = arith.constant 1 : i32
      %scan3A_460 = scf.for %scan3A_482 = %scan3A_456 to %scan3A_458 step %scan3A_459 iter_args(%scan3A_483 = %scan3A_455) -> (i32)  : i32 {
        %rem3A_484 = arith.constant 2 : i32
        %rem3A_485 = arith.remsi %scan3A_482, %rem3A_484 : i32
        %mul3A_486 = arith.constant 2 : i32
        %mul3A_487 = arith.muli %scan3A_482, %mul3A_486 : i32
        %add3A_488 = arith.constant 0 : i32
        %add3A_489 = arith.addi %mul3A_487, %add3A_488 : i32
        %dma_wait3A_490 = arith.constant 0 : i32
        %dma_wait3A_491 = arith.constant 0 : i32
        %dma_wait3A_492 = arith.constant 0 : i32
        %dma_wait3A_493 = tpu.memref_slice %arg20[%rem3A_485, %dma_wait3A_490, %dma_wait3A_491, %dma_wait3A_492] : memref<2x2x56x64xbf16, #tpu.memory_space<vmem>> -> memref<1x1x56x64xbf16, #tpu.memory_space<vmem>>
        %dma_wait3A_494 = tpu.memref_squeeze %dma_wait3A_493 : memref<1x1x56x64xbf16, #tpu.memory_space<vmem>> -> memref<56x64xbf16, #tpu.memory_space<vmem>>
        %dma_wait3A_495 = arith.constant 0 : i32
        %dma_wait3A_496 = tpu.memref_slice %arg16[%rem3A_428, %add3A_489, %dma_wait3A_495] : memref<2x32x56xi32, #tpu.memory_space<vmem>> -> memref<1x1x56xi32, #tpu.memory_space<vmem>>
        %dma_wait3A_497 = tpu.memref_squeeze %dma_wait3A_496 : memref<1x1x56xi32, #tpu.memory_space<vmem>> -> memref<56xi32, #tpu.memory_space<vmem>>
        %dma_wait3A_498 = arith.constant 0 : i32
        %dma_wait3A_499 = arith.constant 0 : i32
        %dma_wait3A_500 = tpu.memref_slice %arg13[%dma_wait3A_498, %dma_wait3A_499] : memref<50008x64xbf16, #tpu.memory_space<vmem_shared>> -> memref<50008x64xbf16, #tpu.memory_space<vmem_shared>>
        tpu.wait_indirect_dma semaphore(%arg23 : memref<!tpu.dma_semaphore, #tpu.memory_space<semaphore_mem>>) src(%dma_wait3A_500 : memref<50008x64xbf16, #tpu.memory_space<vmem_shared>>) dst(%dma_wait3A_494 : memref<56x64xbf16, #tpu.memory_space<vmem>>)
        %mul3A_501 = arith.constant 2 : i32
        %mul3A_502 = arith.muli %scan3A_482, %mul3A_501 : i32
        %add3A_503 = arith.constant 1 : i32
        %add3A_504 = arith.addi %mul3A_502, %add3A_503 : i32
        %dma_wait3A_505 = arith.constant 1 : i32
        %dma_wait3A_506 = arith.constant 0 : i32
        %dma_wait3A_507 = arith.constant 0 : i32
        %dma_wait3A_508 = tpu.memref_slice %arg20[%rem3A_485, %dma_wait3A_505, %dma_wait3A_506, %dma_wait3A_507] : memref<2x2x56x64xbf16, #tpu.memory_space<vmem>> -> memref<1x1x56x64xbf16, #tpu.memory_space<vmem>>
        %dma_wait3A_509 = tpu.memref_squeeze %dma_wait3A_508 : memref<1x1x56x64xbf16, #tpu.memory_space<vmem>> -> memref<56x64xbf16, #tpu.memory_space<vmem>>
        %dma_wait3A_510 = arith.constant 0 : i32
        %dma_wait3A_511 = tpu.memref_slice %arg16[%rem3A_428, %add3A_504, %dma_wait3A_510] : memref<2x32x56xi32, #tpu.memory_space<vmem>> -> memref<1x1x56xi32, #tpu.memory_space<vmem>>
        %dma_wait3A_512 = tpu.memref_squeeze %dma_wait3A_511 : memref<1x1x56xi32, #tpu.memory_space<vmem>> -> memref<56xi32, #tpu.memory_space<vmem>>
        %dma_wait3A_513 = arith.constant 0 : i32
        %dma_wait3A_514 = arith.constant 0 : i32
        %dma_wait3A_515 = tpu.memref_slice %arg13[%dma_wait3A_513, %dma_wait3A_514] : memref<50008x64xbf16, #tpu.memory_space<vmem_shared>> -> memref<50008x64xbf16, #tpu.memory_space<vmem_shared>>
        tpu.wait_indirect_dma semaphore(%arg23 : memref<!tpu.dma_semaphore, #tpu.memory_space<semaphore_mem>>) src(%dma_wait3A_515 : memref<50008x64xbf16, #tpu.memory_space<vmem_shared>>) dst(%dma_wait3A_509 : memref<56x64xbf16, #tpu.memory_space<vmem>>)
        %lt3A_516 = arith.constant 15 : i32
        %lt3A_517 = arith.cmpi slt, %scan3A_482, %lt3A_516 : i32
        %convert_element_type3A_518 = arith.extui %lt3A_517 : i1 to i32
        %cond3A_519 = arith.constant 0 : i32
        %cond3A_520 = arith.cmpi ne, %convert_element_type3A_518, %cond3A_519 : i32
        scf.if %cond3A_520 {
          %add3A_606 = arith.constant 1 : i32
          %add3A_607 = arith.addi %scan3A_482, %add3A_606 : i32
          %sub3A = arith.constant 1 : i32
          %sub3A_608 = arith.subi %sub3A, %rem3A_485 : i32
          %mul3A_609 = arith.constant 2 : i32
          %mul3A_610 = arith.muli %add3A_607, %mul3A_609 : i32
          %add3A_611 = arith.constant 0 : i32
          %add3A_612 = arith.addi %mul3A_610, %add3A_611 : i32
          %dma_start3A_613 = arith.constant 0 : i32
          %dma_start3A_614 = arith.constant 0 : i32
          %dma_start3A_615 = arith.constant 0 : i32
          %dma_start3A_616 = tpu.memref_slice %arg20[%sub3A_608, %dma_start3A_613, %dma_start3A_614, %dma_start3A_615] : memref<2x2x56x64xbf16, #tpu.memory_space<vmem>> -> memref<1x1x56x64xbf16, #tpu.memory_space<vmem>>
          %dma_start3A_617 = tpu.memref_squeeze %dma_start3A_616 : memref<1x1x56x64xbf16, #tpu.memory_space<vmem>> -> memref<56x64xbf16, #tpu.memory_space<vmem>>
          %dma_start3A_618 = arith.constant 0 : i32
          %dma_start3A_619 = tpu.memref_slice %arg16[%rem3A_428, %add3A_612, %dma_start3A_618] : memref<2x32x56xi32, #tpu.memory_space<vmem>> -> memref<1x1x56xi32, #tpu.memory_space<vmem>>
          %dma_start3A_620 = tpu.memref_squeeze %dma_start3A_619 : memref<1x1x56xi32, #tpu.memory_space<vmem>> -> memref<56xi32, #tpu.memory_space<vmem>>
          %dma_start3A_621 = arith.constant 0 : i32
          %dma_start3A_622 = arith.constant 0 : i32
          %dma_start3A_623 = tpu.memref_slice %arg13[%dma_start3A_621, %dma_start3A_622] : memref<50008x64xbf16, #tpu.memory_space<vmem_shared>> -> memref<50008x64xbf16, #tpu.memory_space<vmem_shared>>
          tpu.enqueue_indirect_dma source(%dma_start3A_623 : memref<50008x64xbf16, #tpu.memory_space<vmem_shared>>) target(%dma_start3A_617 : memref<56x64xbf16, #tpu.memory_space<vmem>>) offsets(%dma_start3A_620 : memref<56xi32, #tpu.memory_space<vmem>>) semaphore(%arg23 : memref<!tpu.dma_semaphore, #tpu.memory_space<semaphore_mem>>)
          %mul3A_624 = arith.constant 2 : i32
          %mul3A_625 = arith.muli %add3A_607, %mul3A_624 : i32
          %add3A_626 = arith.constant 1 : i32
          %add3A_627 = arith.addi %mul3A_625, %add3A_626 : i32
          %dma_start3A_628 = arith.constant 1 : i32
          %dma_start3A_629 = arith.constant 0 : i32
          %dma_start3A_630 = arith.constant 0 : i32
          %dma_start3A_631 = tpu.memref_slice %arg20[%sub3A_608, %dma_start3A_628, %dma_start3A_629, %dma_start3A_630] : memref<2x2x56x64xbf16, #tpu.memory_space<vmem>> -> memref<1x1x56x64xbf16, #tpu.memory_space<vmem>>
          %dma_start3A_632 = tpu.memref_squeeze %dma_start3A_631 : memref<1x1x56x64xbf16, #tpu.memory_space<vmem>> -> memref<56x64xbf16, #tpu.memory_space<vmem>>
          %dma_start3A_633 = arith.constant 0 : i32
          %dma_start3A_634 = tpu.memref_slice %arg16[%rem3A_428, %add3A_627, %dma_start3A_633] : memref<2x32x56xi32, #tpu.memory_space<vmem>> -> memref<1x1x56xi32, #tpu.memory_space<vmem>>
          %dma_start3A_635 = tpu.memref_squeeze %dma_start3A_634 : memref<1x1x56xi32, #tpu.memory_space<vmem>> -> memref<56xi32, #tpu.memory_space<vmem>>
          %dma_start3A_636 = arith.constant 0 : i32
          %dma_start3A_637 = arith.constant 0 : i32
          %dma_start3A_638 = tpu.memref_slice %arg13[%dma_start3A_636, %dma_start3A_637] : memref<50008x64xbf16, #tpu.memory_space<vmem_shared>> -> memref<50008x64xbf16, #tpu.memory_space<vmem_shared>>
          tpu.enqueue_indirect_dma source(%dma_start3A_638 : memref<50008x64xbf16, #tpu.memory_space<vmem_shared>>) target(%dma_start3A_632 : memref<56x64xbf16, #tpu.memory_space<vmem>>) offsets(%dma_start3A_635 : memref<56xi32, #tpu.memory_space<vmem>>) semaphore(%arg23 : memref<!tpu.dma_semaphore, #tpu.memory_space<semaphore_mem>>)
        } else {
        }
        %mul3A_521 = arith.constant 2 : i32
        %mul3A_522 = arith.muli %scan3A_482, %mul3A_521 : i32
        %add3A_523 = arith.constant 0 : i32
        %add3A_524 = arith.addi %mul3A_522, %add3A_523 : i32
        %broadcast_in_dim3A_525 = arith.constant 0 : i32
        %broadcast_in_dim3A_526 = vector.broadcast %broadcast_in_dim3A_525 : i32 to vector<16xi32>
        %add3A_527 = vector.broadcast %add3A_524 : i32 to vector<16xi32>
        %add3A_528 = arith.addi %broadcast_in_dim3A_526, %add3A_527 : vector<16xi32>
        %broadcast_in_dim3A_529 = arith.constant 0 : i32
        %broadcast_in_dim3A_530 = vector.broadcast %broadcast_in_dim3A_529 : i32 to vector<16xi32>
        %add3A_531 = vector.broadcast %rem3A_428 : i32 to vector<16xi32>
        %add3A_532 = arith.addi %broadcast_in_dim3A_530, %add3A_531 : vector<16xi32>
        %broadcast_in_dim3A_533 = arith.constant 0.000000e+00 : f32
        %broadcast_in_dim3A_534 = vector.broadcast %broadcast_in_dim3A_533 : f32 to vector<16xf32>
        %scan3A_535 = arith.constant 0 : i32
        %scan3A_536 = arith.constant 50 : i32
        %scan3A_537 = arith.addi %scan3A_535, %scan3A_536 : i32
        %scan3A_538 = arith.constant 1 : i32
        %scan3A_539:4 = scf.for %scan3A_606 = %scan3A_535 to %scan3A_537 step %scan3A_538 iter_args(%scan3A_607 = %broadcast_in_dim3A_534, %scan3A_608 = %broadcast_in_dim3A_534, %scan3A_609 = %broadcast_in_dim3A_534, %scan3A_610 = %broadcast_in_dim3A_534) -> (vector<16xf32>, vector<16xf32>, vector<16xf32>, vector<16xf32>)  : i32 {
          %get3A_611 = arith.constant 0 : i32
          %get3A_612 = arith.index_cast %rem3A_485 : i32 to index
          %get3A_613 = arith.index_cast %get3A_611 : i32 to index
          %get3A_614 = arith.index_cast %scan3A_606 : i32 to index
          %get3A_615 = arith.constant 0 : index
          %get3A_616 = tpu.vector_load %arg20[%get3A_612, %get3A_613, %get3A_614, %get3A_615] {strides = array<i32>} : memref<2x2x56x64xbf16, #tpu.memory_space<vmem>>, vector<32xbf16>,
          %bitcast3A_617 = vector.bitcast %get3A_616 : vector<32xbf16> to vector<16xi32>
          %get3A_618 = arith.constant 0 : i32
          %get3A_619 = arith.index_cast %rem3A_485 : i32 to index
          %get3A_620 = arith.index_cast %get3A_618 : i32 to index
          %get3A_621 = arith.index_cast %scan3A_606 : i32 to index
          %get3A_622 = arith.constant 32 : index
          %get3A_623 = tpu.vector_load %arg20[%get3A_619, %get3A_620, %get3A_621, %get3A_622] {strides = array<i32>} : memref<2x2x56x64xbf16, #tpu.memory_space<vmem>>, vector<32xbf16>,
          %bitcast3A_624 = vector.bitcast %get3A_623 : vector<32xbf16> to vector<16xi32>
          %shift_left3A_625 = arith.constant 16 : i32
          %shift_left3A_626 = vector.broadcast %shift_left3A_625 : i32 to vector<16xi32>
          %shift_left3A_627 = arith.shli %bitcast3A_617, %shift_left3A_626 : vector<16xi32>
          %bitcast3A_628 = vector.bitcast %shift_left3A_627 : vector<16xi32> to vector<16xf32>
          %and3A_629 = arith.andi %bitcast3A_617, %broadcast_in_dim3A_14 : vector<16xi32>
          %bitcast3A_630 = vector.bitcast %and3A_629 : vector<16xi32> to vector<16xf32>
          %shift_left3A_631 = arith.constant 16 : i32
          %shift_left3A_632 = vector.broadcast %shift_left3A_631 : i32 to vector<16xi32>
          %shift_left3A_633 = arith.shli %bitcast3A_624, %shift_left3A_632 : vector<16xi32>
          %bitcast3A_634 = vector.bitcast %shift_left3A_633 : vector<16xi32> to vector<16xf32>
          %and3A_635 = arith.andi %bitcast3A_624, %broadcast_in_dim3A_14 : vector<16xi32>
          %bitcast3A_636 = vector.bitcast %and3A_635 : vector<16xi32> to vector<16xf32>
          %broadcast_in_dim3A_637 = arith.constant 0 : i32
          %broadcast_in_dim3A_638 = vector.broadcast %broadcast_in_dim3A_637 : i32 to vector<16xi32>
          %add3A_639 = vector.broadcast %scan3A_606 : i32 to vector<16xi32>
          %add3A_640 = arith.addi %broadcast_in_dim3A_638, %add3A_639 : vector<16xi32>
          %gather3A_641 = tpu.vector_load_idx %arg17[%add3A_532, %add3A_528, %add3A_640] : memref<2x32x64xi32, #tpu.memory_space<vmem>>[vector<16xi32>, vector<16xi32>, vector<16xi32>], vector<16xi32>,
          %add3A_642 = arith.constant 0 : i32
          %add3A_643 = vector.broadcast %add3A_642 : i32 to vector<16xi32>
          %add3A_644 = arith.addi %iota3A, %add3A_643 : vector<16xi32>
          %gather3A_645 = tpu.vector_load_idx %arg22[%gather3A_641, %add3A_644] : memref<8x64xf32, #tpu.memory_space<vmem>>[vector<16xi32>, vector<16xi32>], vector<16xf32>,
          %add3A_646 = arith.constant 16 : i32
          %add3A_647 = vector.broadcast %add3A_646 : i32 to vector<16xi32>
          %add3A_648 = arith.addi %iota3A, %add3A_647 : vector<16xi32>
          %gather3A_649 = tpu.vector_load_idx %arg22[%gather3A_641, %add3A_648] : memref<8x64xf32, #tpu.memory_space<vmem>>[vector<16xi32>, vector<16xi32>], vector<16xf32>,
          %add3A_650 = arith.constant 32 : i32
          %add3A_651 = vector.broadcast %add3A_650 : i32 to vector<16xi32>
          %add3A_652 = arith.addi %iota3A, %add3A_651 : vector<16xi32>
          %gather3A_653 = tpu.vector_load_idx %arg22[%gather3A_641, %add3A_652] : memref<8x64xf32, #tpu.memory_space<vmem>>[vector<16xi32>, vector<16xi32>], vector<16xf32>,
          %add3A_654 = arith.constant 48 : i32
          %add3A_655 = vector.broadcast %add3A_654 : i32 to vector<16xi32>
          %add3A_656 = arith.addi %iota3A, %add3A_655 : vector<16xi32>
          %gather3A_657 = tpu.vector_load_idx %arg22[%gather3A_641, %add3A_656] : memref<8x64xf32, #tpu.memory_space<vmem>>[vector<16xi32>, vector<16xi32>], vector<16xf32>,
          %add3A_658 = arith.addf %bitcast3A_628, %gather3A_645 : vector<16xf32>
          %max3A_659 = arith.constant 0.000000e+00 : f32
          %max3A_660 = vector.broadcast %max3A_659 : f32 to vector<16xf32>
          %max3A_661 = arith.maximumf %add3A_658, %max3A_660 : vector<16xf32>
          %add3A_662 = arith.addf %scan3A_607, %max3A_661 : vector<16xf32>
          %add3A_663 = arith.addf %bitcast3A_630, %gather3A_649 : vector<16xf32>
          %max3A_664 = arith.constant 0.000000e+00 : f32
          %max3A_665 = vector.broadcast %max3A_664 : f32 to vector<16xf32>
          %max3A_666 = arith.maximumf %add3A_663, %max3A_665 : vector<16xf32>
          %add3A_667 = arith.addf %scan3A_608, %max3A_666 : vector<16xf32>
          %add3A_668 = arith.addf %bitcast3A_634, %gather3A_653 : vector<16xf32>
          %max3A_669 = arith.constant 0.000000e+00 : f32
          %max3A_670 = vector.broadcast %max3A_669 : f32 to vector<16xf32>
          %max3A_671 = arith.maximumf %add3A_668, %max3A_670 : vector<16xf32>
          %add3A_672 = arith.addf %scan3A_609, %max3A_671 : vector<16xf32>
          %add3A_673 = arith.addf %bitcast3A_636, %gather3A_657 : vector<16xf32>
          %max3A_674 = arith.constant 0.000000e+00 : f32
          %max3A_675 = vector.broadcast %max3A_674 : f32 to vector<16xf32>
          %max3A_676 = arith.maximumf %add3A_673, %max3A_675 : vector<16xf32>
          %add3A_677 = arith.addf %scan3A_610, %max3A_676 : vector<16xf32>
          scf.yield %add3A_662, %add3A_667, %add3A_672, %add3A_677 : vector<16xf32>, vector<16xf32>, vector<16xf32>, vector<16xf32>
        }
        %scan3A_540 = arith.constant 50 : i32
        %broadcast_in_dim3A_541 = arith.constant 0 : i32
        %broadcast_in_dim3A_542 = vector.broadcast %broadcast_in_dim3A_541 : i32 to vector<16xi32>
        %add3A_543 = vector.broadcast %rem3A_428 : i32 to vector<16xi32>
        %add3A_544 = arith.addi %broadcast_in_dim3A_542, %add3A_543 : vector<16xi32>
        %broadcast_in_dim3A_545 = vector.broadcast %add3A_524 : i32 to vector<16xi32>
        %broadcast_in_dim3A_546 = arith.constant 56 : i32
        %broadcast_in_dim3A_547 = vector.broadcast %broadcast_in_dim3A_546 : i32 to vector<16xi32>
        %gather3A = tpu.vector_load_idx %arg17[%add3A_544, %broadcast_in_dim3A_545, %broadcast_in_dim3A_547] : memref<2x32x64xi32, #tpu.memory_space<vmem>>[vector<16xi32>, vector<16xi32>, vector<16xi32>], vector<16xi32>,
        %bitcast3A_548 = vector.bitcast %gather3A : vector<16xi32> to vector<16xf32>
        %max3A = arith.constant 1.000000e+00 : f32
        %max3A_549 = vector.broadcast %max3A : f32 to vector<16xf32>
        %max3A_550 = arith.maximumf %bitcast3A_548, %max3A_549 : vector<16xf32>
        %div3A = arith.divf %scan3A_539#0, %max3A_550 : vector<16xf32>
        %div3A_551 = arith.divf %scan3A_539#1, %max3A_550 : vector<16xf32>
        %pack3A = tpu.pack_subelements %div3A, %div3A_551 {pack_format = #tpu.pack_format<interleaved>, positions = array<i32: 0, 1>} : vector<16xf32>, vector<16xf32> -> vector<32xbf16>
        %swap3A_552 = arith.index_cast %add3A_524 : i32 to index
        %swap3A_553 = arith.constant 0 : index
        %swap3A_554 = tpu.vector_load %arg19[%swap3A_552, %swap3A_553] {strides = array<i32>} : memref<32x64xbf16, #tpu.memory_space<vmem>>, vector<32xbf16>,
        tpu.vector_store %arg19[%swap3A_552, %swap3A_553], %pack3A {strides = array<i32>} : memref<32x64xbf16, #tpu.memory_space<vmem>>, vector<32xbf16>,
        %div3A_555 = arith.divf %scan3A_539#2, %max3A_550 : vector<16xf32>
        %div3A_556 = arith.divf %scan3A_539#3, %max3A_550 : vector<16xf32>
        %pack3A_557 = tpu.pack_subelements %div3A_555, %div3A_556 {pack_format = #tpu.pack_format<interleaved>, positions = array<i32: 0, 1>} : vector<16xf32>, vector<16xf32> -> vector<32xbf16>
        %swap3A_558 = arith.index_cast %add3A_524 : i32 to index
        %swap3A_559 = arith.constant 32 : index
        %swap3A_560 = tpu.vector_load %arg19[%swap3A_558, %swap3A_559] {strides = array<i32>} : memref<32x64xbf16, #tpu.memory_space<vmem>>, vector<32xbf16>,
        tpu.vector_store %arg19[%swap3A_558, %swap3A_559], %pack3A_557 {strides = array<i32>} : memref<32x64xbf16, #tpu.memory_space<vmem>>, vector<32xbf16>,
        %mul3A_561 = arith.constant 2 : i32
        %mul3A_562 = arith.muli %scan3A_482, %mul3A_561 : i32
        %add3A_563 = arith.constant 1 : i32
        %add3A_564 = arith.addi %mul3A_562, %add3A_563 : i32
        %broadcast_in_dim3A_565 = arith.constant 0 : i32
        %broadcast_in_dim3A_566 = vector.broadcast %broadcast_in_dim3A_565 : i32 to vector<16xi32>
        %add3A_567 = vector.broadcast %add3A_564 : i32 to vector<16xi32>
        %add3A_568 = arith.addi %broadcast_in_dim3A_566, %add3A_567 : vector<16xi32>
        %broadcast_in_dim3A_569 = arith.constant 0 : i32
        %broadcast_in_dim3A_570 = vector.broadcast %broadcast_in_dim3A_569 : i32 to vector<16xi32>
        %add3A_571 = vector.broadcast %rem3A_428 : i32 to vector<16xi32>
        %add3A_572 = arith.addi %broadcast_in_dim3A_570, %add3A_571 : vector<16xi32>
        %broadcast_in_dim3A_573 = arith.constant 0.000000e+00 : f32
        %broadcast_in_dim3A_574 = vector.broadcast %broadcast_in_dim3A_573 : f32 to vector<16xf32>
        %scan3A_575 = arith.constant 0 : i32
        %scan3A_576 = arith.constant 50 : i32
        %scan3A_577 = arith.addi %scan3A_575, %scan3A_576 : i32
        %scan3A_578 = arith.constant 1 : i32
        %scan3A_579:4 = scf.for %scan3A_606 = %scan3A_575 to %scan3A_577 step %scan3A_578 iter_args(%scan3A_607 = %broadcast_in_dim3A_574, %scan3A_608 = %broadcast_in_dim3A_574, %scan3A_609 = %broadcast_in_dim3A_574, %scan3A_610 = %broadcast_in_dim3A_574) -> (vector<16xf32>, vector<16xf32>, vector<16xf32>, vector<16xf32>)  : i32 {
          %get3A_611 = arith.constant 1 : i32
          %get3A_612 = arith.index_cast %rem3A_485 : i32 to index
          %get3A_613 = arith.index_cast %get3A_611 : i32 to index
          %get3A_614 = arith.index_cast %scan3A_606 : i32 to index
          %get3A_615 = arith.constant 0 : index
          %get3A_616 = tpu.vector_load %arg20[%get3A_612, %get3A_613, %get3A_614, %get3A_615] {strides = array<i32>} : memref<2x2x56x64xbf16, #tpu.memory_space<vmem>>, vector<32xbf16>,
          %bitcast3A_617 = vector.bitcast %get3A_616 : vector<32xbf16> to vector<16xi32>
          %get3A_618 = arith.constant 1 : i32
          %get3A_619 = arith.index_cast %rem3A_485 : i32 to index
          %get3A_620 = arith.index_cast %get3A_618 : i32 to index
          %get3A_621 = arith.index_cast %scan3A_606 : i32 to index
          %get3A_622 = arith.constant 32 : index
          %get3A_623 = tpu.vector_load %arg20[%get3A_619, %get3A_620, %get3A_621, %get3A_622] {strides = array<i32>} : memref<2x2x56x64xbf16, #tpu.memory_space<vmem>>, vector<32xbf16>,
          %bitcast3A_624 = vector.bitcast %get3A_623 : vector<32xbf16> to vector<16xi32>
          %shift_left3A_625 = arith.constant 16 : i32
          %shift_left3A_626 = vector.broadcast %shift_left3A_625 : i32 to vector<16xi32>
          %shift_left3A_627 = arith.shli %bitcast3A_617, %shift_left3A_626 : vector<16xi32>
          %bitcast3A_628 = vector.bitcast %shift_left3A_627 : vector<16xi32> to vector<16xf32>
          %and3A_629 = arith.andi %bitcast3A_617, %broadcast_in_dim3A_14 : vector<16xi32>
          %bitcast3A_630 = vector.bitcast %and3A_629 : vector<16xi32> to vector<16xf32>
          %shift_left3A_631 = arith.constant 16 : i32
          %shift_left3A_632 = vector.broadcast %shift_left3A_631 : i32 to vector<16xi32>
          %shift_left3A_633 = arith.shli %bitcast3A_624, %shift_left3A_632 : vector<16xi32>
          %bitcast3A_634 = vector.bitcast %shift_left3A_633 : vector<16xi32> to vector<16xf32>
          %and3A_635 = arith.andi %bitcast3A_624, %broadcast_in_dim3A_14 : vector<16xi32>
          %bitcast3A_636 = vector.bitcast %and3A_635 : vector<16xi32> to vector<16xf32>
          %broadcast_in_dim3A_637 = arith.constant 0 : i32
          %broadcast_in_dim3A_638 = vector.broadcast %broadcast_in_dim3A_637 : i32 to vector<16xi32>
          %add3A_639 = vector.broadcast %scan3A_606 : i32 to vector<16xi32>
          %add3A_640 = arith.addi %broadcast_in_dim3A_638, %add3A_639 : vector<16xi32>
          %gather3A_641 = tpu.vector_load_idx %arg17[%add3A_572, %add3A_568, %add3A_640] : memref<2x32x64xi32, #tpu.memory_space<vmem>>[vector<16xi32>, vector<16xi32>, vector<16xi32>], vector<16xi32>,
          %add3A_642 = arith.constant 0 : i32
          %add3A_643 = vector.broadcast %add3A_642 : i32 to vector<16xi32>
          %add3A_644 = arith.addi %iota3A, %add3A_643 : vector<16xi32>
          %gather3A_645 = tpu.vector_load_idx %arg22[%gather3A_641, %add3A_644] : memref<8x64xf32, #tpu.memory_space<vmem>>[vector<16xi32>, vector<16xi32>], vector<16xf32>,
          %add3A_646 = arith.constant 16 : i32
          %add3A_647 = vector.broadcast %add3A_646 : i32 to vector<16xi32>
          %add3A_648 = arith.addi %iota3A, %add3A_647 : vector<16xi32>
          %gather3A_649 = tpu.vector_load_idx %arg22[%gather3A_641, %add3A_648] : memref<8x64xf32, #tpu.memory_space<vmem>>[vector<16xi32>, vector<16xi32>], vector<16xf32>,
          %add3A_650 = arith.constant 32 : i32
          %add3A_651 = vector.broadcast %add3A_650 : i32 to vector<16xi32>
          %add3A_652 = arith.addi %iota3A, %add3A_651 : vector<16xi32>
          %gather3A_653 = tpu.vector_load_idx %arg22[%gather3A_641, %add3A_652] : memref<8x64xf32, #tpu.memory_space<vmem>>[vector<16xi32>, vector<16xi32>], vector<16xf32>,
          %add3A_654 = arith.constant 48 : i32
          %add3A_655 = vector.broadcast %add3A_654 : i32 to vector<16xi32>
          %add3A_656 = arith.addi %iota3A, %add3A_655 : vector<16xi32>
          %gather3A_657 = tpu.vector_load_idx %arg22[%gather3A_641, %add3A_656] : memref<8x64xf32, #tpu.memory_space<vmem>>[vector<16xi32>, vector<16xi32>], vector<16xf32>,
          %add3A_658 = arith.addf %bitcast3A_628, %gather3A_645 : vector<16xf32>
          %max3A_659 = arith.constant 0.000000e+00 : f32
          %max3A_660 = vector.broadcast %max3A_659 : f32 to vector<16xf32>
          %max3A_661 = arith.maximumf %add3A_658, %max3A_660 : vector<16xf32>
          %add3A_662 = arith.addf %scan3A_607, %max3A_661 : vector<16xf32>
          %add3A_663 = arith.addf %bitcast3A_630, %gather3A_649 : vector<16xf32>
          %max3A_664 = arith.constant 0.000000e+00 : f32
          %max3A_665 = vector.broadcast %max3A_664 : f32 to vector<16xf32>
          %max3A_666 = arith.maximumf %add3A_663, %max3A_665 : vector<16xf32>
          %add3A_667 = arith.addf %scan3A_608, %max3A_666 : vector<16xf32>
          %add3A_668 = arith.addf %bitcast3A_634, %gather3A_653 : vector<16xf32>
          %max3A_669 = arith.constant 0.000000e+00 : f32
          %max3A_670 = vector.broadcast %max3A_669 : f32 to vector<16xf32>
          %max3A_671 = arith.maximumf %add3A_668, %max3A_670 : vector<16xf32>
          %add3A_672 = arith.addf %scan3A_609, %max3A_671 : vector<16xf32>
          %add3A_673 = arith.addf %bitcast3A_636, %gather3A_657 : vector<16xf32>
          %max3A_674 = arith.constant 0.000000e+00 : f32
          %max3A_675 = vector.broadcast %max3A_674 : f32 to vector<16xf32>
          %max3A_676 = arith.maximumf %add3A_673, %max3A_675 : vector<16xf32>
          %add3A_677 = arith.addf %scan3A_610, %max3A_676 : vector<16xf32>
          scf.yield %add3A_662, %add3A_667, %add3A_672, %add3A_677 : vector<16xf32>, vector<16xf32>, vector<16xf32>, vector<16xf32>
        }
        %scan3A_580 = arith.constant 50 : i32
        %broadcast_in_dim3A_581 = arith.constant 0 : i32
        %broadcast_in_dim3A_582 = vector.broadcast %broadcast_in_dim3A_581 : i32 to vector<16xi32>
        %add3A_583 = vector.broadcast %rem3A_428 : i32 to vector<16xi32>
        %add3A_584 = arith.addi %broadcast_in_dim3A_582, %add3A_583 : vector<16xi32>
        %broadcast_in_dim3A_585 = vector.broadcast %add3A_564 : i32 to vector<16xi32>
        %broadcast_in_dim3A_586 = arith.constant 56 : i32
        %broadcast_in_dim3A_587 = vector.broadcast %broadcast_in_dim3A_586 : i32 to vector<16xi32>
        %gather3A_588 = tpu.vector_load_idx %arg17[%add3A_584, %broadcast_in_dim3A_585, %broadcast_in_dim3A_587] : memref<2x32x64xi32, #tpu.memory_space<vmem>>[vector<16xi32>, vector<16xi32>, vector<16xi32>], vector<16xi32>,
        %bitcast3A_589 = vector.bitcast %gather3A_588 : vector<16xi32> to vector<16xf32>
        %max3A_590 = arith.constant 1.000000e+00 : f32
        %max3A_591 = vector.broadcast %max3A_590 : f32 to vector<16xf32>
        %max3A_592 = arith.maximumf %bitcast3A_589, %max3A_591 : vector<16xf32>
        %div3A_593 = arith.divf %scan3A_579#0, %max3A_592 : vector<16xf32>
        %div3A_594 = arith.divf %scan3A_579#1, %max3A_592 : vector<16xf32>
        %pack3A_595 = tpu.pack_subelements %div3A_593, %div3A_594 {pack_format = #tpu.pack_format<interleaved>, positions = array<i32: 0, 1>} : vector<16xf32>, vector<16xf32> -> vector<32xbf16>
        %swap3A_596 = arith.index_cast %add3A_564 : i32 to index
        %swap3A_597 = arith.constant 0 : index
        %swap3A_598 = tpu.vector_load %arg19[%swap3A_596, %swap3A_597] {strides = array<i32>} : memref<32x64xbf16, #tpu.memory_space<vmem>>, vector<32xbf16>,
        tpu.vector_store %arg19[%swap3A_596, %swap3A_597], %pack3A_595 {strides = array<i32>} : memref<32x64xbf16, #tpu.memory_space<vmem>>, vector<32xbf16>,
        %div3A_599 = arith.divf %scan3A_579#2, %max3A_592 : vector<16xf32>
        %div3A_600 = arith.divf %scan3A_579#3, %max3A_592 : vector<16xf32>
        %pack3A_601 = tpu.pack_subelements %div3A_599, %div3A_600 {pack_format = #tpu.pack_format<interleaved>, positions = array<i32: 0, 1>} : vector<16xf32>, vector<16xf32> -> vector<32xbf16>
        %swap3A_602 = arith.index_cast %add3A_564 : i32 to index
        %swap3A_603 = arith.constant 32 : index
        %swap3A_604 = tpu.vector_load %arg19[%swap3A_602, %swap3A_603] {strides = array<i32>} : memref<32x64xbf16, #tpu.memory_space<vmem>>, vector<32xbf16>,
        tpu.vector_store %arg19[%swap3A_602, %swap3A_603], %pack3A_601 {strides = array<i32>} : memref<32x64xbf16, #tpu.memory_space<vmem>>, vector<32xbf16>,
        %scan3A_605 = arith.constant 0 : i32
        scf.yield %scan3A_605 : i32
      }
      %scan3A_461 = arith.constant 16 : i32
      %eq3A_462 = arith.constant 0 : i32
      %eq3A_463 = arith.cmpi eq, %arg0, %eq3A_462 : i32
      %convert_element_type3A_464 = arith.extui %eq3A_463 : i1 to i32
      %cond3A_465 = arith.constant 0 : i32
      %cond3A_466 = arith.cmpi ne, %convert_element_type3A_464, %cond3A_465 : i32
      scf.if %cond3A_466 {
        %mul3A_482 = arith.constant 32 : i32
        %mul3A_483 = arith.muli %scan3A_426, %mul3A_482 : i32
        %add3A_484 = arith.addi %mul3A_2, %mul3A_483 : i32
        "tpu.region"() ({
          %run_scoped3A = tpu.sem_alloc : memref<!tpu.dma_semaphore, #tpu.memory_space<semaphore_mem>>
          %dma_start3A_485 = arith.constant 0 : i32
          %dma_start3A_486 = tpu.memref_slice %arg10[%add3A_484, %dma_start3A_485] : memref<4096x64xbf16, #tpu.memory_space<hbm>> -> memref<32x64xbf16, #tpu.memory_space<hbm>>
          %dma_start3A_487 = arith.constant 0 : i32
          %dma_start3A_488 = tpu.memref_slice %arg10[%add3A_484, %dma_start3A_487] : memref<4096x64xbf16, #tpu.memory_space<hbm>> -> memref<32x64xbf16, #tpu.memory_space<hbm>>
          tpu.enqueue_dma source(%arg19 : memref<32x64xbf16, #tpu.memory_space<vmem>>) target(%dma_start3A_488 : memref<32x64xbf16, #tpu.memory_space<hbm>>) target_semaphore(%run_scoped3A : memref<!tpu.dma_semaphore, #tpu.memory_space<semaphore_mem>>)
          %dma_wait3A_489 = arith.constant 0 : i32
          %dma_wait3A_490 = tpu.memref_slice %arg10[%add3A_484, %dma_wait3A_489] : memref<4096x64xbf16, #tpu.memory_space<hbm>> -> memref<32x64xbf16, #tpu.memory_space<hbm>>
          %dma_wait3A_491 = arith.constant 0 : i32
          %dma_wait3A_492 = tpu.memref_slice %arg10[%add3A_484, %dma_wait3A_491] : memref<4096x64xbf16, #tpu.memory_space<hbm>> -> memref<32x64xbf16, #tpu.memory_space<hbm>>
          tpu.wait_dma2 semaphore(%run_scoped3A : memref<!tpu.dma_semaphore, #tpu.memory_space<semaphore_mem>>) src(%arg19 : memref<32x64xbf16, #tpu.memory_space<vmem>>) dst(%dma_wait3A_492 : memref<32x64xbf16, #tpu.memory_space<hbm>>)
          tpu.yield
        }) : () -> ()
      } else {
      }
      %eq3A_467 = arith.constant 1 : i32
      %eq3A_468 = arith.cmpi eq, %arg0, %eq3A_467 : i32
      %convert_element_type3A_469 = arith.extui %eq3A_468 : i1 to i32
      %cond3A_470 = arith.constant 0 : i32
      %cond3A_471 = arith.cmpi ne, %convert_element_type3A_469, %cond3A_470 : i32
      scf.if %cond3A_471 {
        %mul3A_482 = arith.constant 32 : i32
        %mul3A_483 = arith.muli %scan3A_426, %mul3A_482 : i32
        %add3A_484 = arith.addi %mul3A_2, %mul3A_483 : i32
        "tpu.region"() ({
          %run_scoped3A = tpu.sem_alloc : memref<!tpu.dma_semaphore, #tpu.memory_space<semaphore_mem>>
          %dma_start3A_485 = arith.constant 0 : i32
          %dma_start3A_486 = tpu.memref_slice %arg11[%add3A_484, %dma_start3A_485] : memref<4096x64xbf16, #tpu.memory_space<hbm>> -> memref<32x64xbf16, #tpu.memory_space<hbm>>
          %dma_start3A_487 = arith.constant 0 : i32
          %dma_start3A_488 = tpu.memref_slice %arg11[%add3A_484, %dma_start3A_487] : memref<4096x64xbf16, #tpu.memory_space<hbm>> -> memref<32x64xbf16, #tpu.memory_space<hbm>>
          tpu.enqueue_dma source(%arg19 : memref<32x64xbf16, #tpu.memory_space<vmem>>) target(%dma_start3A_488 : memref<32x64xbf16, #tpu.memory_space<hbm>>) target_semaphore(%run_scoped3A : memref<!tpu.dma_semaphore, #tpu.memory_space<semaphore_mem>>)
          %dma_wait3A_489 = arith.constant 0 : i32
          %dma_wait3A_490 = tpu.memref_slice %arg11[%add3A_484, %dma_wait3A_489] : memref<4096x64xbf16, #tpu.memory_space<hbm>> -> memref<32x64xbf16, #tpu.memory_space<hbm>>
          %dma_wait3A_491 = arith.constant 0 : i32
          %dma_wait3A_492 = tpu.memref_slice %arg11[%add3A_484, %dma_wait3A_491] : memref<4096x64xbf16, #tpu.memory_space<hbm>> -> memref<32x64xbf16, #tpu.memory_space<hbm>>
          tpu.wait_dma2 semaphore(%run_scoped3A : memref<!tpu.dma_semaphore, #tpu.memory_space<semaphore_mem>>) src(%arg19 : memref<32x64xbf16, #tpu.memory_space<vmem>>) dst(%dma_wait3A_492 : memref<32x64xbf16, #tpu.memory_space<hbm>>)
          tpu.yield
        }) : () -> ()
      } else {
      }
      %lt3A = arith.constant 7 : i32
      %lt3A_472 = arith.cmpi slt, %scan3A_426, %lt3A : i32
      %convert_element_type3A_473 = arith.extui %lt3A_472 : i1 to i32
      %cond3A_474 = arith.constant 0 : i32
      %cond3A_475 = arith.cmpi ne, %convert_element_type3A_473, %cond3A_474 : i32
      scf.if %cond3A_475 {
        %add3A_482 = arith.constant 1 : i32
        %add3A_483 = arith.addi %scan3A_426, %add3A_482 : i32
        %sub3A = arith.constant 1 : i32
        %sub3A_484 = arith.subi %sub3A, %rem3A_428 : i32
        %mul3A_485 = arith.constant 32 : i32
        %mul3A_486 = arith.muli %add3A_483, %mul3A_485 : i32
        %eq3A_487 = arith.constant 0 : i32
        %eq3A_488 = arith.cmpi eq, %arg0, %eq3A_487 : i32
        %convert_element_type3A_489 = arith.extui %eq3A_488 : i1 to i32
        %cond3A_490 = arith.constant 0 : i32
        %cond3A_491 = arith.cmpi ne, %convert_element_type3A_489, %cond3A_490 : i32
        scf.if %cond3A_491 {
          %dma_wait3A_505 = arith.constant 0 : i32
          %dma_wait3A_506 = arith.constant 0 : i32
          %dma_wait3A_507 = tpu.memref_slice %arg16[%sub3A_484, %dma_wait3A_505, %dma_wait3A_506] : memref<2x32x56xi32, #tpu.memory_space<vmem>> -> memref<1x32x56xi32, #tpu.memory_space<vmem>>
          %dma_wait3A_508 = tpu.memref_squeeze %dma_wait3A_507 : memref<1x32x56xi32, #tpu.memory_space<vmem>> -> memref<32x56xi32, #tpu.memory_space<vmem>>
          %dma_wait3A_509 = tpu.memref_slice %arg14[%mul3A_486] : memref<256xi32, #tpu.memory_space<vmem>> -> memref<32xi32, #tpu.memory_space<vmem>>
          %dma_wait3A_510 = arith.constant 0 : i32
          %dma_wait3A_511 = arith.constant 0 : i32
          %dma_wait3A_512 = tpu.memref_slice %arg3[%dma_wait3A_510, %dma_wait3A_511] : memref<100000x56xi32, #tpu.memory_space<hbm>> -> memref<100000x56xi32, #tpu.memory_space<hbm>>
          tpu.wait_indirect_dma semaphore(%arg25 : memref<!tpu.dma_semaphore, #tpu.memory_space<semaphore_mem>>) src(%dma_wait3A_512 : memref<100000x56xi32, #tpu.memory_space<hbm>>) dst(%dma_wait3A_508 : memref<32x56xi32, #tpu.memory_space<vmem>>)
        } else {
        }
        %eq3A_492 = arith.constant 1 : i32
        %eq3A_493 = arith.cmpi eq, %arg0, %eq3A_492 : i32
        %convert_element_type3A_494 = arith.extui %eq3A_493 : i1 to i32
        %cond3A_495 = arith.constant 0 : i32
        %cond3A_496 = arith.cmpi ne, %convert_element_type3A_494, %cond3A_495 : i32
        scf.if %cond3A_496 {
          %dma_wait3A_505 = arith.constant 0 : i32
          %dma_wait3A_506 = arith.constant 0 : i32
          %dma_wait3A_507 = tpu.memref_slice %arg16[%sub3A_484, %dma_wait3A_505, %dma_wait3A_506] : memref<2x32x56xi32, #tpu.memory_space<vmem>> -> memref<1x32x56xi32, #tpu.memory_space<vmem>>
          %dma_wait3A_508 = tpu.memref_squeeze %dma_wait3A_507 : memref<1x32x56xi32, #tpu.memory_space<vmem>> -> memref<32x56xi32, #tpu.memory_space<vmem>>
          %dma_wait3A_509 = tpu.memref_slice %arg14[%mul3A_486] : memref<256xi32, #tpu.memory_space<vmem>> -> memref<32xi32, #tpu.memory_space<vmem>>
          %dma_wait3A_510 = arith.constant 0 : i32
          %dma_wait3A_511 = arith.constant 0 : i32
          %dma_wait3A_512 = tpu.memref_slice %arg4[%dma_wait3A_510, %dma_wait3A_511] : memref<100000x56xi32, #tpu.memory_space<hbm>> -> memref<100000x56xi32, #tpu.memory_space<hbm>>
          tpu.wait_indirect_dma semaphore(%arg25 : memref<!tpu.dma_semaphore, #tpu.memory_space<semaphore_mem>>) src(%dma_wait3A_512 : memref<100000x56xi32, #tpu.memory_space<hbm>>) dst(%dma_wait3A_508 : memref<32x56xi32, #tpu.memory_space<vmem>>)
        } else {
        }
        %dma_wait3A_497 = arith.constant 0 : i32
        %dma_wait3A_498 = arith.constant 0 : i32
        %dma_wait3A_499 = tpu.memref_slice %arg17[%sub3A_484, %dma_wait3A_497, %dma_wait3A_498] : memref<2x32x64xi32, #tpu.memory_space<vmem>> -> memref<1x32x64xi32, #tpu.memory_space<vmem>>
        %dma_wait3A_500 = tpu.memref_squeeze %dma_wait3A_499 : memref<1x32x64xi32, #tpu.memory_space<vmem>> -> memref<32x64xi32, #tpu.memory_space<vmem>>
        %dma_wait3A_501 = tpu.memref_slice %arg14[%mul3A_486] : memref<256xi32, #tpu.memory_space<vmem>> -> memref<32xi32, #tpu.memory_space<vmem>>
        %dma_wait3A_502 = arith.constant 0 : i32
        %dma_wait3A_503 = arith.constant 0 : i32
        %dma_wait3A_504 = tpu.memref_slice %arg5[%dma_wait3A_502, %dma_wait3A_503] : memref<100000x64xi32, #tpu.memory_space<hbm>> -> memref<100000x64xi32, #tpu.memory_space<hbm>>
        tpu.wait_indirect_dma semaphore(%arg26 : memref<!tpu.dma_semaphore, #tpu.memory_space<semaphore_mem>>) src(%dma_wait3A_504 : memref<100000x64xi32, #tpu.memory_space<hbm>>) dst(%dma_wait3A_500 : memref<32x64xi32, #tpu.memory_space<vmem>>)
      } else {
      }
      %lt3A_476 = arith.constant 6 : i32
      %lt3A_477 = arith.cmpi slt, %scan3A_426, %lt3A_476 : i32
      %convert_element_type3A_478 = arith.extui %lt3A_477 : i1 to i32
      %cond3A_479 = arith.constant 0 : i32
      %cond3A_480 = arith.cmpi ne, %convert_element_type3A_478, %cond3A_479 : i32
      scf.if %cond3A_480 {
        %add3A_482 = arith.constant 2 : i32
        %add3A_483 = arith.addi %scan3A_426, %add3A_482 : i32
        %mul3A_484 = arith.constant 32 : i32
        %mul3A_485 = arith.muli %add3A_483, %mul3A_484 : i32
        %eq3A_486 = arith.constant 0 : i32
        %eq3A_487 = arith.cmpi eq, %arg0, %eq3A_486 : i32
        %convert_element_type3A_488 = arith.extui %eq3A_487 : i1 to i32
        %cond3A_489 = arith.constant 0 : i32
        %cond3A_490 = arith.cmpi ne, %convert_element_type3A_488, %cond3A_489 : i32
        scf.if %cond3A_490 {
          %dma_start3A_504 = arith.constant 0 : i32
          %dma_start3A_505 = arith.constant 0 : i32
          %dma_start3A_506 = tpu.memref_slice %arg16[%rem3A_428, %dma_start3A_504, %dma_start3A_505] : memref<2x32x56xi32, #tpu.memory_space<vmem>> -> memref<1x32x56xi32, #tpu.memory_space<vmem>>
          %dma_start3A_507 = tpu.memref_squeeze %dma_start3A_506 : memref<1x32x56xi32, #tpu.memory_space<vmem>> -> memref<32x56xi32, #tpu.memory_space<vmem>>
          %dma_start3A_508 = tpu.memref_slice %arg14[%mul3A_485] : memref<256xi32, #tpu.memory_space<vmem>> -> memref<32xi32, #tpu.memory_space<vmem>>
          %dma_start3A_509 = arith.constant 0 : i32
          %dma_start3A_510 = arith.constant 0 : i32
          %dma_start3A_511 = tpu.memref_slice %arg3[%dma_start3A_509, %dma_start3A_510] : memref<100000x56xi32, #tpu.memory_space<hbm>> -> memref<100000x56xi32, #tpu.memory_space<hbm>>
          tpu.enqueue_indirect_dma source(%dma_start3A_511 : memref<100000x56xi32, #tpu.memory_space<hbm>>) target(%dma_start3A_507 : memref<32x56xi32, #tpu.memory_space<vmem>>) offsets(%dma_start3A_508 : memref<32xi32, #tpu.memory_space<vmem>>) semaphore(%arg25 : memref<!tpu.dma_semaphore, #tpu.memory_space<semaphore_mem>>)
        } else {
        }
        %eq3A_491 = arith.constant 1 : i32
        %eq3A_492 = arith.cmpi eq, %arg0, %eq3A_491 : i32
        %convert_element_type3A_493 = arith.extui %eq3A_492 : i1 to i32
        %cond3A_494 = arith.constant 0 : i32
        %cond3A_495 = arith.cmpi ne, %convert_element_type3A_493, %cond3A_494 : i32
        scf.if %cond3A_495 {
          %dma_start3A_504 = arith.constant 0 : i32
          %dma_start3A_505 = arith.constant 0 : i32
          %dma_start3A_506 = tpu.memref_slice %arg16[%rem3A_428, %dma_start3A_504, %dma_start3A_505] : memref<2x32x56xi32, #tpu.memory_space<vmem>> -> memref<1x32x56xi32, #tpu.memory_space<vmem>>
          %dma_start3A_507 = tpu.memref_squeeze %dma_start3A_506 : memref<1x32x56xi32, #tpu.memory_space<vmem>> -> memref<32x56xi32, #tpu.memory_space<vmem>>
          %dma_start3A_508 = tpu.memref_slice %arg14[%mul3A_485] : memref<256xi32, #tpu.memory_space<vmem>> -> memref<32xi32, #tpu.memory_space<vmem>>
          %dma_start3A_509 = arith.constant 0 : i32
          %dma_start3A_510 = arith.constant 0 : i32
          %dma_start3A_511 = tpu.memref_slice %arg4[%dma_start3A_509, %dma_start3A_510] : memref<100000x56xi32, #tpu.memory_space<hbm>> -> memref<100000x56xi32, #tpu.memory_space<hbm>>
          tpu.enqueue_indirect_dma source(%dma_start3A_511 : memref<100000x56xi32, #tpu.memory_space<hbm>>) target(%dma_start3A_507 : memref<32x56xi32, #tpu.memory_space<vmem>>) offsets(%dma_start3A_508 : memref<32xi32, #tpu.memory_space<vmem>>) semaphore(%arg25 : memref<!tpu.dma_semaphore, #tpu.memory_space<semaphore_mem>>)
        } else {
        }
        %dma_start3A_496 = arith.constant 0 : i32
        %dma_start3A_497 = arith.constant 0 : i32
        %dma_start3A_498 = tpu.memref_slice %arg17[%rem3A_428, %dma_start3A_496, %dma_start3A_497] : memref<2x32x64xi32, #tpu.memory_space<vmem>> -> memref<1x32x64xi32, #tpu.memory_space<vmem>>
        %dma_start3A_499 = tpu.memref_squeeze %dma_start3A_498 : memref<1x32x64xi32, #tpu.memory_space<vmem>> -> memref<32x64xi32, #tpu.memory_space<vmem>>
        %dma_start3A_500 = tpu.memref_slice %arg14[%mul3A_485] : memref<256xi32, #tpu.memory_space<vmem>> -> memref<32xi32, #tpu.memory_space<vmem>>
        %dma_start3A_501 = arith.constant 0 : i32
        %dma_start3A_502 = arith.constant 0 : i32
        %dma_start3A_503 = tpu.memref_slice %arg5[%dma_start3A_501, %dma_start3A_502] : memref<100000x64xi32, #tpu.memory_space<hbm>> -> memref<100000x64xi32, #tpu.memory_space<hbm>>
        tpu.enqueue_indirect_dma source(%dma_start3A_503 : memref<100000x64xi32, #tpu.memory_space<hbm>>) target(%dma_start3A_499 : memref<32x64xi32, #tpu.memory_space<vmem>>) offsets(%dma_start3A_500 : memref<32xi32, #tpu.memory_space<vmem>>) semaphore(%arg26 : memref<!tpu.dma_semaphore, #tpu.memory_space<semaphore_mem>>)
      } else {
      }
      %scan3A_481 = arith.constant 0 : i32
      scf.yield %scan3A_481 : i32
    }
    %scan3A_377 = arith.constant 8 : i32
    %dma_start3A_378 = arith.constant 0 : i32
    %dma_start3A_379 = tpu.memref_slice %arg15[%dma_start3A_378] : memref<128xi32, #tpu.memory_space<vmem>> -> memref<32xi32, #tpu.memory_space<vmem>>
    %dma_start3A_380 = arith.constant 0 : i32
    %dma_start3A_381 = arith.constant 0 : i32
    %dma_start3A_382 = tpu.memref_slice %arg9[%dma_start3A_380, %dma_start3A_381] : memref<100000x64xf32, #tpu.memory_space<hbm>> -> memref<100000x64xf32, #tpu.memory_space<hbm>>
    tpu.enqueue_indirect_dma source(%dma_start3A_382 : memref<100000x64xf32, #tpu.memory_space<hbm>>) target(%arg18 : memref<32x64xf32, #tpu.memory_space<vmem>>) offsets(%dma_start3A_379 : memref<32xi32, #tpu.memory_space<vmem>>) semaphore(%arg27 : memref<!tpu.dma_semaphore, #tpu.memory_space<semaphore_mem>>)
    %dma_wait3A_383 = arith.constant 0 : i32
    %dma_wait3A_384 = tpu.memref_slice %arg15[%dma_wait3A_383] : memref<128xi32, #tpu.memory_space<vmem>> -> memref<32xi32, #tpu.memory_space<vmem>>
    %dma_wait3A_385 = arith.constant 0 : i32
    %dma_wait3A_386 = arith.constant 0 : i32
    %dma_wait3A_387 = tpu.memref_slice %arg9[%dma_wait3A_385, %dma_wait3A_386] : memref<100000x64xf32, #tpu.memory_space<hbm>> -> memref<100000x64xf32, #tpu.memory_space<hbm>>
    tpu.wait_indirect_dma semaphore(%arg27 : memref<!tpu.dma_semaphore, #tpu.memory_space<semaphore_mem>>) src(%dma_wait3A_387 : memref<100000x64xf32, #tpu.memory_space<hbm>>) dst(%arg18 : memref<32x64xf32, #tpu.memory_space<vmem>>)
    %add3A_388 = arith.constant 0 : i32
    %add3A_389 = arith.addi %mul3A_4, %add3A_388 : i32
    "tpu.region"() ({
      %run_scoped3A = tpu.sem_alloc : memref<!tpu.dma_semaphore, #tpu.memory_space<semaphore_mem>>
      %dma_start3A_426 = arith.constant 0 : i32
      %dma_start3A_427 = tpu.memref_slice %arg12[%add3A_389, %dma_start3A_426] : memref<4096x64xf32, #tpu.memory_space<hbm>> -> memref<32x64xf32, #tpu.memory_space<hbm>>
      %dma_start3A_428 = arith.constant 0 : i32
      %dma_start3A_429 = tpu.memref_slice %arg12[%add3A_389, %dma_start3A_428] : memref<4096x64xf32, #tpu.memory_space<hbm>> -> memref<32x64xf32, #tpu.memory_space<hbm>>
      tpu.enqueue_dma source(%arg18 : memref<32x64xf32, #tpu.memory_space<vmem>>) target(%dma_start3A_429 : memref<32x64xf32, #tpu.memory_space<hbm>>) target_semaphore(%run_scoped3A : memref<!tpu.dma_semaphore, #tpu.memory_space<semaphore_mem>>)
      %dma_wait3A_430 = arith.constant 0 : i32
      %dma_wait3A_431 = tpu.memref_slice %arg12[%add3A_389, %dma_wait3A_430] : memref<4096x64xf32, #tpu.memory_space<hbm>> -> memref<32x64xf32, #tpu.memory_space<hbm>>
      %dma_wait3A_432 = arith.constant 0 : i32
      %dma_wait3A_433 = tpu.memref_slice %arg12[%add3A_389, %dma_wait3A_432] : memref<4096x64xf32, #tpu.memory_space<hbm>> -> memref<32x64xf32, #tpu.memory_space<hbm>>
      tpu.wait_dma2 semaphore(%run_scoped3A : memref<!tpu.dma_semaphore, #tpu.memory_space<semaphore_mem>>) src(%arg18 : memref<32x64xf32, #tpu.memory_space<vmem>>) dst(%dma_wait3A_433 : memref<32x64xf32, #tpu.memory_space<hbm>>)
      tpu.yield
    }) : () -> ()
    %dma_start3A_390 = arith.constant 32 : i32
    %dma_start3A_391 = tpu.memref_slice %arg15[%dma_start3A_390] : memref<128xi32, #tpu.memory_space<vmem>> -> memref<32xi32, #tpu.memory_space<vmem>>
    %dma_start3A_392 = arith.constant 0 : i32
    %dma_start3A_393 = arith.constant 0 : i32
    %dma_start3A_394 = tpu.memref_slice %arg9[%dma_start3A_392, %dma_start3A_393] : memref<100000x64xf32, #tpu.memory_space<hbm>> -> memref<100000x64xf32, #tpu.memory_space<hbm>>
    tpu.enqueue_indirect_dma source(%dma_start3A_394 : memref<100000x64xf32, #tpu.memory_space<hbm>>) target(%arg18 : memref<32x64xf32, #tpu.memory_space<vmem>>) offsets(%dma_start3A_391 : memref<32xi32, #tpu.memory_space<vmem>>) semaphore(%arg27 : memref<!tpu.dma_semaphore, #tpu.memory_space<semaphore_mem>>)
    %dma_wait3A_395 = arith.constant 32 : i32
    %dma_wait3A_396 = tpu.memref_slice %arg15[%dma_wait3A_395] : memref<128xi32, #tpu.memory_space<vmem>> -> memref<32xi32, #tpu.memory_space<vmem>>
    %dma_wait3A_397 = arith.constant 0 : i32
    %dma_wait3A_398 = arith.constant 0 : i32
    %dma_wait3A_399 = tpu.memref_slice %arg9[%dma_wait3A_397, %dma_wait3A_398] : memref<100000x64xf32, #tpu.memory_space<hbm>> -> memref<100000x64xf32, #tpu.memory_space<hbm>>
    tpu.wait_indirect_dma semaphore(%arg27 : memref<!tpu.dma_semaphore, #tpu.memory_space<semaphore_mem>>) src(%dma_wait3A_399 : memref<100000x64xf32, #tpu.memory_space<hbm>>) dst(%arg18 : memref<32x64xf32, #tpu.memory_space<vmem>>)
    %add3A_400 = arith.constant 32 : i32
    %add3A_401 = arith.addi %mul3A_4, %add3A_400 : i32
    "tpu.region"() ({
      %run_scoped3A = tpu.sem_alloc : memref<!tpu.dma_semaphore, #tpu.memory_space<semaphore_mem>>
      %dma_start3A_426 = arith.constant 0 : i32
      %dma_start3A_427 = tpu.memref_slice %arg12[%add3A_401, %dma_start3A_426] : memref<4096x64xf32, #tpu.memory_space<hbm>> -> memref<32x64xf32, #tpu.memory_space<hbm>>
      %dma_start3A_428 = arith.constant 0 : i32
      %dma_start3A_429 = tpu.memref_slice %arg12[%add3A_401, %dma_start3A_428] : memref<4096x64xf32, #tpu.memory_space<hbm>> -> memref<32x64xf32, #tpu.memory_space<hbm>>
      tpu.enqueue_dma source(%arg18 : memref<32x64xf32, #tpu.memory_space<vmem>>) target(%dma_start3A_429 : memref<32x64xf32, #tpu.memory_space<hbm>>) target_semaphore(%run_scoped3A : memref<!tpu.dma_semaphore, #tpu.memory_space<semaphore_mem>>)
      %dma_wait3A_430 = arith.constant 0 : i32
      %dma_wait3A_431 = tpu.memref_slice %arg12[%add3A_401, %dma_wait3A_430] : memref<4096x64xf32, #tpu.memory_space<hbm>> -> memref<32x64xf32, #tpu.memory_space<hbm>>
      %dma_wait3A_432 = arith.constant 0 : i32
      %dma_wait3A_433 = tpu.memref_slice %arg12[%add3A_401, %dma_wait3A_432] : memref<4096x64xf32, #tpu.memory_space<hbm>> -> memref<32x64xf32, #tpu.memory_space<hbm>>
      tpu.wait_dma2 semaphore(%run_scoped3A : memref<!tpu.dma_semaphore, #tpu.memory_space<semaphore_mem>>) src(%arg18 : memref<32x64xf32, #tpu.memory_space<vmem>>) dst(%dma_wait3A_433 : memref<32x64xf32, #tpu.memory_space<hbm>>)
      tpu.yield
    }) : () -> ()
    %dma_start3A_402 = arith.constant 64 : i32
    %dma_start3A_403 = tpu.memref_slice %arg15[%dma_start3A_402] : memref<128xi32, #tpu.memory_space<vmem>> -> memref<32xi32, #tpu.memory_space<vmem>>
    %dma_start3A_404 = arith.constant 0 : i32
    %dma_start3A_405 = arith.constant 0 : i32
    %dma_start3A_406 = tpu.memref_slice %arg9[%dma_start3A_404, %dma_start3A_405] : memref<100000x64xf32, #tpu.memory_space<hbm>> -> memref<100000x64xf32, #tpu.memory_space<hbm>>
    tpu.enqueue_indirect_dma source(%dma_start3A_406 : memref<100000x64xf32, #tpu.memory_space<hbm>>) target(%arg18 : memref<32x64xf32, #tpu.memory_space<vmem>>) offsets(%dma_start3A_403 : memref<32xi32, #tpu.memory_space<vmem>>) semaphore(%arg27 : memref<!tpu.dma_semaphore, #tpu.memory_space<semaphore_mem>>)
    %dma_wait3A_407 = arith.constant 64 : i32
    %dma_wait3A_408 = tpu.memref_slice %arg15[%dma_wait3A_407] : memref<128xi32, #tpu.memory_space<vmem>> -> memref<32xi32, #tpu.memory_space<vmem>>
    %dma_wait3A_409 = arith.constant 0 : i32
    %dma_wait3A_410 = arith.constant 0 : i32
    %dma_wait3A_411 = tpu.memref_slice %arg9[%dma_wait3A_409, %dma_wait3A_410] : memref<100000x64xf32, #tpu.memory_space<hbm>> -> memref<100000x64xf32, #tpu.memory_space<hbm>>
    tpu.wait_indirect_dma semaphore(%arg27 : memref<!tpu.dma_semaphore, #tpu.memory_space<semaphore_mem>>) src(%dma_wait3A_411 : memref<100000x64xf32, #tpu.memory_space<hbm>>) dst(%arg18 : memref<32x64xf32, #tpu.memory_space<vmem>>)
    %add3A_412 = arith.constant 64 : i32
    %add3A_413 = arith.addi %mul3A_4, %add3A_412 : i32
    "tpu.region"() ({
      %run_scoped3A = tpu.sem_alloc : memref<!tpu.dma_semaphore, #tpu.memory_space<semaphore_mem>>
      %dma_start3A_426 = arith.constant 0 : i32
      %dma_start3A_427 = tpu.memref_slice %arg12[%add3A_413, %dma_start3A_426] : memref<4096x64xf32, #tpu.memory_space<hbm>> -> memref<32x64xf32, #tpu.memory_space<hbm>>
      %dma_start3A_428 = arith.constant 0 : i32
      %dma_start3A_429 = tpu.memref_slice %arg12[%add3A_413, %dma_start3A_428] : memref<4096x64xf32, #tpu.memory_space<hbm>> -> memref<32x64xf32, #tpu.memory_space<hbm>>
      tpu.enqueue_dma source(%arg18 : memref<32x64xf32, #tpu.memory_space<vmem>>) target(%dma_start3A_429 : memref<32x64xf32, #tpu.memory_space<hbm>>) target_semaphore(%run_scoped3A : memref<!tpu.dma_semaphore, #tpu.memory_space<semaphore_mem>>)
      %dma_wait3A_430 = arith.constant 0 : i32
      %dma_wait3A_431 = tpu.memref_slice %arg12[%add3A_413, %dma_wait3A_430] : memref<4096x64xf32, #tpu.memory_space<hbm>> -> memref<32x64xf32, #tpu.memory_space<hbm>>
      %dma_wait3A_432 = arith.constant 0 : i32
      %dma_wait3A_433 = tpu.memref_slice %arg12[%add3A_413, %dma_wait3A_432] : memref<4096x64xf32, #tpu.memory_space<hbm>> -> memref<32x64xf32, #tpu.memory_space<hbm>>
      tpu.wait_dma2 semaphore(%run_scoped3A : memref<!tpu.dma_semaphore, #tpu.memory_space<semaphore_mem>>) src(%arg18 : memref<32x64xf32, #tpu.memory_space<vmem>>) dst(%dma_wait3A_433 : memref<32x64xf32, #tpu.memory_space<hbm>>)
      tpu.yield
    }) : () -> ()
    %dma_start3A_414 = arith.constant 96 : i32
    %dma_start3A_415 = tpu.memref_slice %arg15[%dma_start3A_414] : memref<128xi32, #tpu.memory_space<vmem>> -> memref<32xi32, #tpu.memory_space<vmem>>
    %dma_start3A_416 = arith.constant 0 : i32
    %dma_start3A_417 = arith.constant 0 : i32
    %dma_start3A_418 = tpu.memref_slice %arg9[%dma_start3A_416, %dma_start3A_417] : memref<100000x64xf32, #tpu.memory_space<hbm>> -> memref<100000x64xf32, #tpu.memory_space<hbm>>
    tpu.enqueue_indirect_dma source(%dma_start3A_418 : memref<100000x64xf32, #tpu.memory_space<hbm>>) target(%arg18 : memref<32x64xf32, #tpu.memory_space<vmem>>) offsets(%dma_start3A_415 : memref<32xi32, #tpu.memory_space<vmem>>) semaphore(%arg27 : memref<!tpu.dma_semaphore, #tpu.memory_space<semaphore_mem>>)
    %dma_wait3A_419 = arith.constant 96 : i32
    %dma_wait3A_420 = tpu.memref_slice %arg15[%dma_wait3A_419] : memref<128xi32, #tpu.memory_space<vmem>> -> memref<32xi32, #tpu.memory_space<vmem>>
    %dma_wait3A_421 = arith.constant 0 : i32
    %dma_wait3A_422 = arith.constant 0 : i32
    %dma_wait3A_423 = tpu.memref_slice %arg9[%dma_wait3A_421, %dma_wait3A_422] : memref<100000x64xf32, #tpu.memory_space<hbm>> -> memref<100000x64xf32, #tpu.memory_space<hbm>>
    tpu.wait_indirect_dma semaphore(%arg27 : memref<!tpu.dma_semaphore, #tpu.memory_space<semaphore_mem>>) src(%dma_wait3A_423 : memref<100000x64xf32, #tpu.memory_space<hbm>>) dst(%arg18 : memref<32x64xf32, #tpu.memory_space<vmem>>)
    %add3A_424 = arith.constant 96 : i32
    %add3A_425 = arith.addi %mul3A_4, %add3A_424 : i32
    "tpu.region"() ({
      %run_scoped3A = tpu.sem_alloc : memref<!tpu.dma_semaphore, #tpu.memory_space<semaphore_mem>>
      %dma_start3A_426 = arith.constant 0 : i32
      %dma_start3A_427 = tpu.memref_slice %arg12[%add3A_425, %dma_start3A_426] : memref<4096x64xf32, #tpu.memory_space<hbm>> -> memref<32x64xf32, #tpu.memory_space<hbm>>
      %dma_start3A_428 = arith.constant 0 : i32
      %dma_start3A_429 = tpu.memref_slice %arg12[%add3A_425, %dma_start3A_428] : memref<4096x64xf32, #tpu.memory_space<hbm>> -> memref<32x64xf32, #tpu.memory_space<hbm>>
      tpu.enqueue_dma source(%arg18 : memref<32x64xf32, #tpu.memory_space<vmem>>) target(%dma_start3A_429 : memref<32x64xf32, #tpu.memory_space<hbm>>) target_semaphore(%run_scoped3A : memref<!tpu.dma_semaphore, #tpu.memory_space<semaphore_mem>>)
      %dma_wait3A_430 = arith.constant 0 : i32
      %dma_wait3A_431 = tpu.memref_slice %arg12[%add3A_425, %dma_wait3A_430] : memref<4096x64xf32, #tpu.memory_space<hbm>> -> memref<32x64xf32, #tpu.memory_space<hbm>>
      %dma_wait3A_432 = arith.constant 0 : i32
      %dma_wait3A_433 = tpu.memref_slice %arg12[%add3A_425, %dma_wait3A_432] : memref<4096x64xf32, #tpu.memory_space<hbm>> -> memref<32x64xf32, #tpu.memory_space<hbm>>
      tpu.wait_dma2 semaphore(%run_scoped3A : memref<!tpu.dma_semaphore, #tpu.memory_space<semaphore_mem>>) src(%arg18 : memref<32x64xf32, #tpu.memory_space<vmem>>) dst(%dma_wait3A_433 : memref<32x64xf32, #tpu.memory_space<hbm>>)
      tpu.yield
    }) : () -> ()
    return
  }
}

module attributes {stable_mosaic.version = 14 : i64} {
  func.func @_prep_body(%arg0: i32, %arg1: memref<2000x64xf32, #tpu.memory_space<vmem>>, %arg2: memref<2000x50xi32, #tpu.memory_space<vmem>>, %arg3: memref<2000x50xi32, #tpu.memory_space<vmem>>, %arg4: memref<2000x50xi32, #tpu.memory_space<vmem>>, %arg5: memref<128x64xf32, #tpu.memory_space<vmem>>, %arg6: memref<64x64xf32, #tpu.memory_space<vmem>>, %arg7: memref<1x64xf32, #tpu.memory_space<vmem>>, %arg8: memref<8x64xf32, #tpu.memory_space<vmem>>, %arg9: memref<2000x64xbf16, #tpu.memory_space<vmem>>, %arg10: memref<8x64xbf16, #tpu.memory_space<vmem>>, %arg11: memref<2000x56xi32, #tpu.memory_space<vmem>>, %arg12: memref<2000x56xi32, #tpu.memory_space<vmem>>, %arg13: memref<2000x64xi32, #tpu.memory_space<vmem>>, %arg14: memref<8x64xbf16, #tpu.memory_space<vmem>>) attributes {dimension_semantics = [#tpu.dimension_semantics<arbitrary>], iteration_bounds = array<i64: 50>, scalar_prefetch = 0 : i64, scratch_operands = 0 : i64, tpu.core_type = #tpu.core_type<tc>, window_params = [{transform_indices = @transform_0, window_bounds = array<i64: 2000, 64>}, {transform_indices = @transform_1, window_bounds = array<i64: 2000, 50>}, {transform_indices = @transform_2, window_bounds = array<i64: 2000, 50>}, {transform_indices = @transform_3, window_bounds = array<i64: 2000, 50>}, {pipeline_mode = #tpu.pipeline_mode<synchronous>, transform_indices = @transform_4, window_bounds = array<i64: 128, 64>}, {pipeline_mode = #tpu.pipeline_mode<synchronous>, transform_indices = @transform_5, window_bounds = array<i64: 64, 64>}, {pipeline_mode = #tpu.pipeline_mode<synchronous>, transform_indices = @transform_6, window_bounds = array<i64: 1, 64>}, {pipeline_mode = #tpu.pipeline_mode<synchronous>, transform_indices = @transform_7, window_bounds = array<i64: 8, 64>}, {transform_indices = @transform_8, window_bounds = array<i64: 2000, 64>}, {pipeline_mode = #tpu.pipeline_mode<synchronous>, transform_indices = @transform_9, window_bounds = array<i64: 8, 64>}, {transform_indices = @transform_10, window_bounds = array<i64: 2000, 56>}, {transform_indices = @transform_11, window_bounds = array<i64: 2000, 56>}, {transform_indices = @transform_12, window_bounds = array<i64: 2000, 64>}, {pipeline_mode = #tpu.pipeline_mode<synchronous>, transform_indices = @transform_13, window_bounds = array<i64: 8, 64>}]} {
    %get3A = arith.constant 0 : index
    %get3A_0 = arith.constant 0 : index
    %get3A_1 = vector.load %arg1[%get3A, %get3A_0] : memref<2000x64xf32, #tpu.memory_space<vmem>>, vector<2000x64xf32>
    %get3A_2 = arith.constant 0 : index
    %get3A_3 = arith.constant 0 : index
    %get3A_4 = vector.load %arg5[%get3A_2, %get3A_3] : memref<128x64xf32, #tpu.memory_space<vmem>>, vector<64x64xf32>
    %dot_general3A = arith.constant dense<0.000000e+00> : vector<2000x64xf32>
    %dot_general3A_5 = tpu.matmul %get3A_1, %get3A_4, %dot_general3A {dimension_numbers = #tpu.dot_dimension_numbers<[1], [0], [0], [1], [0, 0, 1, 1], [], []>, transpose_lhs_hint = false} : vector<2000x64xf32>, vector<64x64xf32>, vector<2000x64xf32> -> vector<2000x64xf32>
    %convert_element_type3A = arith.truncf %dot_general3A_5 : vector<2000x64xf32> to vector<2000x64xbf16>
    %swap3A = arith.constant 0 : index
    %swap3A_6 = arith.constant 0 : index
    %swap3A_7 = vector.load %arg9[%swap3A, %swap3A_6] : memref<2000x64xbf16, #tpu.memory_space<vmem>>, vector<2000x64xbf16>
    tpu.vector_store %arg9[%swap3A, %swap3A_6], %convert_element_type3A {strides = array<i32>} : memref<2000x64xbf16, #tpu.memory_space<vmem>>, vector<2000x64xbf16>,
    %broadcast_in_dim3A = arith.constant -1.000260e+30 : bf16
    %broadcast_in_dim3A_8 = vector.broadcast %broadcast_in_dim3A : bf16 to vector<8x64xbf16>
    %swap3A_9 = arith.constant 0 : index
    %swap3A_10 = arith.constant 0 : index
    %swap3A_11 = vector.load %arg10[%swap3A_9, %swap3A_10] : memref<8x64xbf16, #tpu.memory_space<vmem>>, vector<8x64xbf16>
    tpu.vector_store %arg10[%swap3A_9, %swap3A_10], %broadcast_in_dim3A_8 {strides = array<i32>} : memref<8x64xbf16, #tpu.memory_space<vmem>>, vector<8x64xbf16>,
    %get3A_12 = arith.constant 0 : index
    %get3A_13 = arith.constant 0 : index
    %get3A_14 = vector.load %arg4[%get3A_12, %get3A_13] : memref<2000x50xi32, #tpu.memory_space<vmem>>, vector<2000x50xi32>
    %broadcast_in_dim3A_15 = arith.constant 50000 : i32
    %broadcast_in_dim3A_16 = vector.broadcast %broadcast_in_dim3A_15 : i32 to vector<2000x6xi32>
    %lt3A = arith.constant 50000 : i32
    %lt3A_17 = vector.broadcast %lt3A : i32 to vector<2000x50xi32>
    %lt3A_18 = arith.cmpi slt, %get3A_14, %lt3A_17 : vector<2000x50xi32>
    %jit3A = arith.constant 50000 : i32
    %broadcast_in_dim3A_19 = vector.broadcast %jit3A : i32 to vector<2000x50xi32>
    %select_n3A = arith.select %lt3A_18, %get3A_14, %broadcast_in_dim3A_19 : vector<2000x50xi1>, vector<2000x50xi32>
    %concatenate3A = tpu.concatenate %select_n3A, %broadcast_in_dim3A_16 in 1 : vector<2000x50xi32>, vector<2000x6xi32> -> vector<2000x56xi32>
    %swap3A_20 = arith.constant 0 : index
    %swap3A_21 = arith.constant 0 : index
    %swap3A_22 = vector.load %arg11[%swap3A_20, %swap3A_21] : memref<2000x56xi32, #tpu.memory_space<vmem>>, vector<2000x56xi32>
    tpu.vector_store %arg11[%swap3A_20, %swap3A_21], %concatenate3A {strides = array<i32>} : memref<2000x56xi32, #tpu.memory_space<vmem>>, vector<2000x56xi32>,
    %ge3A = arith.constant 50000 : i32
    %ge3A_23 = vector.broadcast %ge3A : i32 to vector<2000x50xi32>
    %ge3A_24 = arith.cmpi sge, %get3A_14, %ge3A_23 : vector<2000x50xi32>
    %sub3A = arith.constant 50000 : i32
    %sub3A_25 = vector.broadcast %sub3A : i32 to vector<2000x50xi32>
    %sub3A_26 = arith.subi %get3A_14, %sub3A_25 : vector<2000x50xi32>
    %jit3A_27 = arith.constant 50000 : i32
    %broadcast_in_dim3A_28 = vector.broadcast %jit3A_27 : i32 to vector<2000x50xi32>
    %select_n3A_29 = arith.select %ge3A_24, %sub3A_26, %broadcast_in_dim3A_28 : vector<2000x50xi1>, vector<2000x50xi32>
    %concatenate3A_30 = tpu.concatenate %select_n3A_29, %broadcast_in_dim3A_16 in 1 : vector<2000x50xi32>, vector<2000x6xi32> -> vector<2000x56xi32>
    %swap3A_31 = arith.constant 0 : index
    %swap3A_32 = arith.constant 0 : index
    %swap3A_33 = vector.load %arg12[%swap3A_31, %swap3A_32] : memref<2000x56xi32, #tpu.memory_space<vmem>>, vector<2000x56xi32>
    tpu.vector_store %arg12[%swap3A_31, %swap3A_32], %concatenate3A_30 {strides = array<i32>} : memref<2000x56xi32, #tpu.memory_space<vmem>>, vector<2000x56xi32>,
    %get3A_34 = arith.constant 0 : index
    %get3A_35 = arith.constant 0 : index
    %get3A_36 = vector.load %arg2[%get3A_34, %get3A_35] : memref<2000x50xi32, #tpu.memory_space<vmem>>, vector<2000x50xi32>
    %gt3A = arith.constant 0 : i32
    %gt3A_37 = vector.broadcast %gt3A : i32 to vector<2000x50xi32>
    %gt3A_38 = arith.cmpi sgt, %get3A_36, %gt3A_37 : vector<2000x50xi32>
    %get3A_39 = arith.constant 0 : index
    %get3A_40 = arith.constant 0 : index
    %get3A_41 = vector.load %arg3[%get3A_39, %get3A_40] : memref<2000x50xi32, #tpu.memory_space<vmem>>, vector<2000x50xi32>
    %jit3A_42 = arith.constant 5 : i32
    %broadcast_in_dim3A_43 = vector.broadcast %jit3A_42 : i32 to vector<2000x50xi32>
    %select_n3A_44 = arith.select %gt3A_38, %get3A_41, %broadcast_in_dim3A_43 : vector<2000x50xi1>, vector<2000x50xi32>
    %broadcast_in_dim3A_45 = arith.constant 5 : i32
    %broadcast_in_dim3A_46 = vector.broadcast %broadcast_in_dim3A_45 : i32 to vector<2000x14xi32>
    %concatenate3A_47 = tpu.concatenate %select_n3A_44, %broadcast_in_dim3A_46 in 1 : vector<2000x50xi32>, vector<2000x14xi32> -> vector<2000x64xi32>
    %convert_element_type3A_48 = arith.sitofp %get3A_36 : vector<2000x50xi32> to vector<2000x50xf32>
    %reduce_sum3A = arith.constant dense<0.000000e+00> : vector<2000xf32>
    %reduce_sum3A_49 = vector.multi_reduction <add>, %convert_element_type3A_48, %reduce_sum3A [1] : vector<2000x50xf32> to vector<2000xf32>
    %broadcast_in_dim3A_50 = vector.shape_cast %reduce_sum3A_49 : vector<2000xf32> to vector<2000x1xf32>
    %broadcast_in_dim3A_51 = vector.shape_cast %broadcast_in_dim3A_50 : vector<2000x1xf32> to vector<2000x1xf32>
    %broadcast_in_dim3A_52 = vector.broadcast %broadcast_in_dim3A_51 : vector<2000x1xf32> to vector<2000x64xf32>
    %bitcast_convert_type3A = tpu.bitcast %broadcast_in_dim3A_52 : vector<2000x64xf32> -> vector<2000x64xi32>
    %iota3A = tpu.iota {dimensions = array<i32: 1>} : vector<2000x64xi32>
    %eq3A = arith.constant 56 : i32
    %eq3A_53 = vector.broadcast %eq3A : i32 to vector<2000x64xi32>
    %eq3A_54 = arith.cmpi eq, %iota3A, %eq3A_53 : vector<2000x64xi32>
    %select_n3A_55 = arith.select %eq3A_54, %bitcast_convert_type3A, %concatenate3A_47 : vector<2000x64xi1>, vector<2000x64xi32>
    %swap3A_56 = arith.constant 0 : index
    %swap3A_57 = arith.constant 0 : index
    %swap3A_58 = vector.load %arg13[%swap3A_56, %swap3A_57] : memref<2000x64xi32, #tpu.memory_space<vmem>>, vector<2000x64xi32>
    tpu.vector_store %arg13[%swap3A_56, %swap3A_57], %select_n3A_55 {strides = array<i32>} : memref<2000x64xi32, #tpu.memory_space<vmem>>, vector<2000x64xi32>,
    %get3A_59 = arith.constant 0 : index
    %get3A_60 = arith.constant 0 : index
    %get3A_61 = vector.load %arg8[%get3A_59, %get3A_60] : memref<8x64xf32, #tpu.memory_space<vmem>>, vector<8x64xf32>
    %get3A_62 = arith.constant 0 : index
    %get3A_63 = arith.constant 0 : index
    %get3A_64 = vector.load %arg6[%get3A_62, %get3A_63] : memref<64x64xf32, #tpu.memory_space<vmem>>, vector<64x64xf32>
    %dot_general3A_65 = arith.constant dense<0.000000e+00> : vector<8x64xf32>
    %dot_general3A_66 = tpu.matmul %get3A_61, %get3A_64, %dot_general3A_65 {dimension_numbers = #tpu.dot_dimension_numbers<[1], [0], [0], [1], [0, 0, 1, 1], [], []>, transpose_lhs_hint = false} : vector<8x64xf32>, vector<64x64xf32>, vector<8x64xf32> -> vector<8x64xf32>
    %get3A_67 = arith.constant 0 : index
    %get3A_68 = arith.constant 0 : index
    %get3A_69 = vector.load %arg7[%get3A_67, %get3A_68] : memref<1x64xf32, #tpu.memory_space<vmem>>, vector<1x64xf32>
    %add3A = vector.broadcast %get3A_69 : vector<1x64xf32> to vector<8x64xf32>
    %add3A_70 = arith.addf %dot_general3A_66, %add3A : vector<8x64xf32>
    %iota3A_71 = tpu.iota {dimensions = array<i32: 0>} : vector<8x64xi32>
    %lt3A_72 = arith.constant 5 : i32
    %lt3A_73 = vector.broadcast %lt3A_72 : i32 to vector<8x64xi32>
    %lt3A_74 = arith.cmpi slt, %iota3A_71, %lt3A_73 : vector<8x64xi32>
    %jit3A_75 = arith.constant -1.000000e+30 : f32
    %broadcast_in_dim3A_76 = vector.broadcast %jit3A_75 : f32 to vector<8x64xf32>
    %select_n3A_77 = arith.select %lt3A_74, %add3A_70, %broadcast_in_dim3A_76 : vector<8x64xi1>, vector<8x64xf32>
    %convert_element_type3A_78 = arith.truncf %select_n3A_77 : vector<8x64xf32> to vector<8x64xbf16>
    %swap3A_79 = arith.constant 0 : index
    %swap3A_80 = arith.constant 0 : index
    %swap3A_81 = vector.load %arg14[%swap3A_79, %swap3A_80] : memref<8x64xbf16, #tpu.memory_space<vmem>>, vector<8x64xbf16>
    tpu.vector_store %arg14[%swap3A_79, %swap3A_80], %convert_element_type3A_78 {strides = array<i32>} : memref<8x64xbf16, #tpu.memory_space<vmem>>, vector<8x64xbf16>,
    return
  }
  func.func @transform_0(%arg0: i32) -> (i32, i32) {
    %c0_i32 = arith.constant 0 : i32
    %c0_i32_0 = arith.constant 0 : i32
    return %arg0, %c0_i32 : i32, i32
  }
  func.func @transform_1(%arg0: i32) -> (i32, i32) {
    %c0_i32 = arith.constant 0 : i32
    %c0_i32_0 = arith.constant 0 : i32
    return %arg0, %c0_i32 : i32, i32
  }
  func.func @transform_2(%arg0: i32) -> (i32, i32) {
    %c0_i32 = arith.constant 0 : i32
    %c0_i32_0 = arith.constant 0 : i32
    return %arg0, %c0_i32 : i32, i32
  }
  func.func @transform_3(%arg0: i32) -> (i32, i32) {
    %c0_i32 = arith.constant 0 : i32
    %c0_i32_0 = arith.constant 0 : i32
    return %arg0, %c0_i32 : i32, i32
  }
  func.func @transform_4(%arg0: i32) -> (i32, i32) {
    %c0_i32 = arith.constant 0 : i32
    %c0_i32_0 = arith.constant 0 : i32
    %c0_i32_1 = arith.constant 0 : i32
    return %c0_i32, %c0_i32_0 : i32, i32
  }
  func.func @transform_5(%arg0: i32) -> (i32, i32) {
    %c0_i32 = arith.constant 0 : i32
    %c0_i32_0 = arith.constant 0 : i32
    %c0_i32_1 = arith.constant 0 : i32
    return %c0_i32, %c0_i32_0 : i32, i32
  }
  func.func @transform_6(%arg0: i32) -> (i32, i32) {
    %c0_i32 = arith.constant 0 : i32
    %c0_i32_0 = arith.constant 0 : i32
    %c0_i32_1 = arith.constant 0 : i32
    return %c0_i32, %c0_i32_0 : i32, i32
  }
  func.func @transform_7(%arg0: i32) -> (i32, i32) {
    %c0_i32 = arith.constant 0 : i32
    %c0_i32_0 = arith.constant 0 : i32
    %c0_i32_1 = arith.constant 0 : i32
    return %c0_i32, %c0_i32_0 : i32, i32
  }
  func.func @transform_8(%arg0: i32) -> (i32, i32) {
    %c0_i32 = arith.constant 0 : i32
    %c0_i32_0 = arith.constant 0 : i32
    return %arg0, %c0_i32 : i32, i32
  }
  func.func @transform_9(%arg0: i32) -> (i32, i32) {
    %c0_i32 = arith.constant 0 : i32
    %c0_i32_0 = arith.constant 0 : i32
    %c0_i32_1 = arith.constant 0 : i32
    return %c0_i32, %c0_i32_0 : i32, i32
  }
  func.func @transform_10(%arg0: i32) -> (i32, i32) {
    %c0_i32 = arith.constant 0 : i32
    %c0_i32_0 = arith.constant 0 : i32
    return %arg0, %c0_i32 : i32, i32
  }
  func.func @transform_11(%arg0: i32) -> (i32, i32) {
    %c0_i32 = arith.constant 0 : i32
    %c0_i32_0 = arith.constant 0 : i32
    return %arg0, %c0_i32 : i32, i32
  }
  func.func @transform_12(%arg0: i32) -> (i32, i32) {
    %c0_i32 = arith.constant 0 : i32
    %c0_i32_0 = arith.constant 0 : i32
    return %arg0, %c0_i32 : i32, i32
  }
  func.func @transform_13(%arg0: i32) -> (i32, i32) {
    %c0_i32 = arith.constant 0 : i32
    %c0_i32_0 = arith.constant 0 : i32
    %c0_i32_1 = arith.constant 0 : i32
    return %c0_i32, %c0_i32_0 : i32, i32
  }
}

module attributes {stable_mosaic.version = 14 : i64} {
  func.func @_combine_body(%arg0: i32, %arg1: memref<512x64xf32, #tpu.memory_space<vmem>>, %arg2: memref<512x64xbf16, #tpu.memory_space<vmem>>, %arg3: memref<512x64xbf16, #tpu.memory_space<vmem>>, %arg4: memref<64x64xf32, #tpu.memory_space<vmem>>, %arg5: memref<64x64xf32, #tpu.memory_space<vmem>>, %arg6: memref<1x64xf32, #tpu.memory_space<vmem>>, %arg7: memref<512x64xf32, #tpu.memory_space<vmem>>) attributes {dimension_semantics = [#tpu.dimension_semantics<arbitrary>], iteration_bounds = array<i64: 8>, scalar_prefetch = 0 : i64, scratch_operands = 0 : i64, tpu.core_type = #tpu.core_type<tc>, window_params = [{transform_indices = @transform_0, window_bounds = array<i64: 512, 64>}, {transform_indices = @transform_1, window_bounds = array<i64: 512, 64>}, {transform_indices = @transform_2, window_bounds = array<i64: 512, 64>}, {pipeline_mode = #tpu.pipeline_mode<synchronous>, transform_indices = @transform_3, window_bounds = array<i64: 64, 64>}, {pipeline_mode = #tpu.pipeline_mode<synchronous>, transform_indices = @transform_4, window_bounds = array<i64: 64, 64>}, {pipeline_mode = #tpu.pipeline_mode<synchronous>, transform_indices = @transform_5, window_bounds = array<i64: 1, 64>}, {transform_indices = @transform_6, window_bounds = array<i64: 512, 64>}]} {
    %get3A = arith.constant 0 : index
    %get3A_0 = arith.constant 0 : index
    %get3A_1 = vector.load %arg2[%get3A, %get3A_0] : memref<512x64xbf16, #tpu.memory_space<vmem>>, vector<512x64xbf16>
    %convert_element_type3A = arith.extf %get3A_1 : vector<512x64xbf16> to vector<512x64xf32>
    %get3A_2 = arith.constant 0 : index
    %get3A_3 = arith.constant 0 : index
    %get3A_4 = vector.load %arg3[%get3A_2, %get3A_3] : memref<512x64xbf16, #tpu.memory_space<vmem>>, vector<512x64xbf16>
    %convert_element_type3A_5 = arith.extf %get3A_4 : vector<512x64xbf16> to vector<512x64xf32>
    %add3A = arith.addf %convert_element_type3A, %convert_element_type3A_5 : vector<512x64xf32>
    %get3A_6 = arith.constant 0 : index
    %get3A_7 = arith.constant 0 : index
    %get3A_8 = vector.load %arg1[%get3A_6, %get3A_7] : memref<512x64xf32, #tpu.memory_space<vmem>>, vector<512x64xf32>
    %get3A_9 = arith.constant 0 : index
    %get3A_10 = arith.constant 0 : index
    %get3A_11 = vector.load %arg4[%get3A_9, %get3A_10] : memref<64x64xf32, #tpu.memory_space<vmem>>, vector<64x64xf32>
    %dot_general3A = arith.constant dense<0.000000e+00> : vector<512x64xf32>
    %dot_general3A_12 = tpu.matmul %get3A_8, %get3A_11, %dot_general3A {dimension_numbers = #tpu.dot_dimension_numbers<[1], [0], [0], [1], [0, 0, 1, 1], [], []>, transpose_lhs_hint = false} : vector<512x64xf32>, vector<64x64xf32>, vector<512x64xf32> -> vector<512x64xf32>
    %get3A_13 = arith.constant 0 : index
    %get3A_14 = arith.constant 0 : index
    %get3A_15 = vector.load %arg5[%get3A_13, %get3A_14] : memref<64x64xf32, #tpu.memory_space<vmem>>, vector<64x64xf32>
    %dot_general3A_16 = arith.constant dense<0.000000e+00> : vector<512x64xf32>
    %dot_general3A_17 = tpu.matmul %add3A, %get3A_15, %dot_general3A_16 {dimension_numbers = #tpu.dot_dimension_numbers<[1], [0], [0], [1], [0, 0, 1, 1], [], []>, transpose_lhs_hint = false} : vector<512x64xf32>, vector<64x64xf32>, vector<512x64xf32> -> vector<512x64xf32>
    %add3A_18 = arith.addf %dot_general3A_12, %dot_general3A_17 : vector<512x64xf32>
    %get3A_19 = arith.constant 0 : index
    %get3A_20 = arith.constant 0 : index
    %get3A_21 = vector.load %arg6[%get3A_19, %get3A_20] : memref<1x64xf32, #tpu.memory_space<vmem>>, vector<1x64xf32>
    %add3A_22 = vector.broadcast %get3A_21 : vector<1x64xf32> to vector<512x64xf32>
    %add3A_23 = arith.addf %add3A_18, %add3A_22 : vector<512x64xf32>
    %max3A = arith.constant 0.000000e+00 : f32
    %max3A_24 = vector.broadcast %max3A : f32 to vector<512x64xf32>
    %max3A_25 = arith.maximumf %add3A_23, %max3A_24 : vector<512x64xf32>
    %swap3A = arith.constant 0 : index
    %swap3A_26 = arith.constant 0 : index
    %swap3A_27 = vector.load %arg7[%swap3A, %swap3A_26] : memref<512x64xf32, #tpu.memory_space<vmem>>, vector<512x64xf32>
    tpu.vector_store %arg7[%swap3A, %swap3A_26], %max3A_25 {strides = array<i32>} : memref<512x64xf32, #tpu.memory_space<vmem>>, vector<512x64xf32>,
    return
  }
  func.func @transform_0(%arg0: i32) -> (i32, i32) {
    %c0_i32 = arith.constant 0 : i32
    %c0_i32_0 = arith.constant 0 : i32
    return %arg0, %c0_i32 : i32, i32
  }
  func.func @transform_1(%arg0: i32) -> (i32, i32) {
    %c0_i32 = arith.constant 0 : i32
    %c0_i32_0 = arith.constant 0 : i32
    return %arg0, %c0_i32 : i32, i32
  }
  func.func @transform_2(%arg0: i32) -> (i32, i32) {
    %c0_i32 = arith.constant 0 : i32
    %c0_i32_0 = arith.constant 0 : i32
    return %arg0, %c0_i32 : i32, i32
  }
  func.func @transform_3(%arg0: i32) -> (i32, i32) {
    %c0_i32 = arith.constant 0 : i32
    %c0_i32_0 = arith.constant 0 : i32
    %c0_i32_1 = arith.constant 0 : i32
    return %c0_i32, %c0_i32_0 : i32, i32
  }
  func.func @transform_4(%arg0: i32) -> (i32, i32) {
    %c0_i32 = arith.constant 0 : i32
    %c0_i32_0 = arith.constant 0 : i32
    %c0_i32_1 = arith.constant 0 : i32
    return %c0_i32, %c0_i32_0 : i32, i32
  }
  func.func @transform_5(%arg0: i32) -> (i32, i32) {
    %c0_i32 = arith.constant 0 : i32
    %c0_i32_0 = arith.constant 0 : i32
    %c0_i32_1 = arith.constant 0 : i32
    return %c0_i32, %c0_i32_0 : i32, i32
  }
  func.func @transform_6(%arg0: i32) -> (i32, i32) {
    %c0_i32 = arith.constant 0 : i32
    %c0_i32_0 = arith.constant 0 : i32
    return %arg0, %c0_i32 : i32, i32
  }
}

</mosaic_0001>

<sc_bundles>
// kernel: kernel.5.cloned.1.call-start
scs
__scs_entry_jumppad:
0x0: {  	(pc) =	sbr.rel $0x88, $3  }
0x1: {  	(tag) =	ssettag $0x0;
	lr =	simm.s32 $0x1  }
0x2: {  	[smem:$0x3F97] =	sst lr;
	_ =	strace $0xD0000000  }
0x3: {  	_ = 	snop  }
0x4: {  	_ = 	snop  }
0x5: {  	_ = 	snop  }
0x6: {  	_ = 	snop  }
0x7: {  	_ = 	snop  }
__scs_overlays_trampoline_lowered:
0x8: {  	[smem:$0x3FA6] =	sst s0  }
0x9: {  	[smem:$0x3FA7] =	sst s1  }
0xa: {  	[smem:$0x3FA8] =	sst s2  }
0xb: {  	[smem:$0x3FA9] =	sst s3  }
0xc: {  	[smem:$0x3FAA] =	sst s4  }
0xd: {  	[smem:$0x3FAB] =	sst s5  }
0xe: {  	[smem:$0x3FAC] =	sst s6  }
0xf: {  	[smem:$0x3FAD] =	sst s7  }
0x10: {  	[smem:$0x3FAE] =	sst s8  }
0x11: {  	[smem:$0x3FAF] =	sst s9;
	s0 =	simm.s32 @!p0 $0x0  }
0x12: {  	s1 =	sld [smem:$0x3F95];
	s0 =	simm.s32 @p0 $0x1  }
0x13: {  	[smem:$0x3FB0] =	sst s0;
	s0 =	simm.s32 @!p1 $0x0  }
0x14: {  	s2 =	sld [smem:$0x3F94];
	s0 =	simm.s32 @p1 $0x1  }
0x15: {  	[smem:$0x3FB1] =	sst s0;
	s0 =	simm.s32 @!p2 $0x0  }
0x16: {  	s3 =	sld [smem:$0x3FDB];
	s0 =	simm.s32 @p2 $0x1  }
0x17: {  	s4 =	simm.s32 $0x1BF5;
	[smem:$0x3FB3] =	sst s0  }
0x18: {  	s0 =	sld [smem:$0x3F96];
	_ =	swait.ge [sflag:s4], $0x0  }
0x19: {  	s7 =	sld [smem:$0x3F97]  }
0x1a: {  	s8 =	sadd.s32 $0xFFFFE003, lr  }
0x1b: {  	s9 =	sadd.s32 $0xFFFFFEF7, lr;
	s5 =	simm.s32 $0xFFFFFFFF;
	p2 =	slt.u32 s8, $0xFFFFF086  }
0x1c: {  	p1 =	slt.u32 s9, $0xF7A;
	s5 =	simm.s32 @!p2 $0x0  }
0x1d: {  	s5 =	simm.s32 @p1 $0x1;
	p0 =	seq.s32 s7, s2  }
0x1e: {  	s7 =	smul.u32 @!p0 $0xF7A, s2;
	p2 =	seq.s32 @!p0 s5, $0x0  }
0x1f: {  	s9 =	smul.u32 $0xF7A, s1;
	s8 =	simm.s32 @!p0 $0x1BF5;
	p2 =	por !p2, p0  }
0x20: {  	[sflag:s8] =	ssyncset.s32 @!p0 $0xFFFFF086;
	s6 =	sadd.s32 @!p0 s3, s7;
	s7 =	simm.s32 @!p0 $0x108  }
0x21: {  	s3 =	sadd.s32 s3, s9;
	s6 =	sadd.s32 @!p0 $0x88, s6;
	s7 =	simm.s32 @p2 $0x1082  }
0x22: {  	[simem:s7], [sflag:s8] =	dma.local @!p0 [hbm:s6], $0xF7A  }
0x23: {  	s9 =	sor.u32 $0xD0000000, s2;
	s6 =	simm.s32 $0x108;
	_ =	swait.ge @!p0 [sflag:s8], $0x0  }
0x24: {  	s3 =	sadd.s32 $0x88, s3;
	s6 =	simm.s32 @!p1 $0x1082;
	[sflag:s4] =	ssyncset.s32 $0xFFFFF086  }
0x25: {  	[simem:s6], [sflag:s4] =	dma.local [hbm:s3], $0xF7A  }
0x26: {  	[smem:$0x3F97] =	sst s1;
	(tag) =	ssettag s2;
	_ =	strace s9  }
0x27: {  	s1 =	sld [smem:$0x3FA7]  }
0x28: {  	s2 =	sld [smem:$0x3FA8]  }
0x29: {  	s4 =	sld [smem:$0x3FAA]  }
0x2a: {  	p0 =	seq.s32 s5, $0x0;
	s5 =	sld [smem:$0x3FAB]  }
0x2b: {  	s6 =	sld [smem:$0x3FAC]  }
0x2c: {  	s7 =	sld [smem:$0x3FAD]  }
0x2d: {  	s3 =	simm.s32 $0x108;
	s8 =	sld [smem:$0x3FAE]  }
0x2e: {  	s3 =	simm.s32 @!p0 $0x1082;
	s9 =	sld [smem:$0x3FAF]  }
0x2f: {  	lr =	sadd.s32 s0, s3;
	s0 =	sld [smem:$0x3FA6]  }
0x30: {  	s3 =	sld [smem:$0x3FA9]  }
0x31: {  	[smem:$0x3FB2] =	sst s10  }
0x32: {  	s10 =	sld [smem:$0x3FB0];
	_ =	sdelay $0x3  }
0x33: {  	p0 =	seq.s32 s10, $0x1;
	s10 =	sld [smem:$0x3FB2];
	_ =	sdelay $0x3  }
0x34: {  	[smem:$0x3FB2] =	sst s10  }
0x35: {  	s10 =	sld [smem:$0x3FB1];
	_ =	sdelay $0x3  }
0x36: {  	p1 =	seq.s32 s10, $0x1;
	s10 =	sld [smem:$0x3FB2];
	_ =	sdelay $0x3  }
0x37: {  	[smem:$0x3FB2] =	sst s10  }
0x38: {  	s10 =	sld [smem:$0x3FB3]  }
0x39: {  	_ = 	snop;
	(pc) =	sbr.ind lr, $3  }
0x3a: {  	_ = 	snop  }
0x3b: {  	_ = 	snop  }
0x3c: {  	p2 =	seq.s32 s10, $0x1;
	s10 =	sld [smem:$0x3FB2]  }
0x3d: {  	_ =	shalt  }
0x3e: {  	_ =	shalt  }
0x3f: {  	_ =	shalt  }
0x40: {  	_ =	shalt  }
0x41: {  	_ =	shalt  }
0x42: {  	_ =	shalt  }
0x43: {  	_ =	shalt  }
0x44: {  	_ =	shalt  }
0x45: {  	_ =	shalt  }
0x46: {  	_ =	shalt  }
0x47: {  	_ =	shalt  }
0x48: {  	_ =	shalt  }
0x49: {  	_ =	shalt  }
0x4a: {  	_ =	shalt  }
0x4b: {  	_ =	shalt  }
0x4c: {  	_ =	shalt  }
0x4d: {  	_ =	shalt  }
0x4e: {  	_ =	shalt  }
0x4f: {  	_ =	shalt  }
0x50: {  	_ =	shalt  }
0x51: {  	_ =	shalt  }
0x52: {  	_ =	shalt  }
0x53: {  	_ =	shalt  }
0x54: {  	_ =	shalt  }
0x55: {  	_ =	shalt  }
0x56: {  	_ =	shalt  }
0x57: {  	_ =	shalt  }
0x58: {  	_ =	shalt  }
0x59: {  	_ =	shalt  }
0x5a: {  	_ =	shalt  }
0x5b: {  	_ =	shalt  }
0x5c: {  	_ =	shalt  }
0x5d: {  	_ =	shalt  }
0x5e: {  	_ =	shalt  }
0x5f: {  	_ =	shalt  }
0x60: {  	_ =	shalt  }
0x61: {  	_ =	shalt  }
0x62: {  	_ =	shalt  }
0x63: {  	_ =	shalt  }
0x64: {  	_ =	shalt  }
0x65: {  	_ =	shalt  }
0x66: {  	_ =	shalt  }
0x67: {  	_ =	shalt  }
0x68: {  	_ =	shalt  }
0x69: {  	_ =	shalt  }
0x6a: {  	_ =	shalt  }
0x6b: {  	_ =	shalt  }
0x6c: {  	_ =	shalt  }
0x6d: {  	_ =	shalt  }
0x6e: {  	_ =	shalt  }
0x6f: {  	_ =	shalt  }
0x70: {  	_ =	shalt  }
0x71: {  	_ =	shalt  }
0x72: {  	_ =	shalt  }
0x73: {  	_ =	shalt  }
0x74: {  	_ =	shalt  }
0x75: {  	_ =	shalt  }
0x76: {  	_ =	shalt  }
0x77: {  	_ =	shalt  }
0x78: {  	_ =	shalt  }
0x79: {  	_ =	shalt  }
0x7a: {  	_ =	shalt  }
0x7b: {  	_ =	shalt  }
0x7c: {  	_ =	shalt  }
0x7d: {  	_ =	shalt  }
0x7e: {  	_ =	shalt  }
0x7f: {  	_ =	shalt  }
0x80: {  	_ =	shalt  }
0x81: {  	_ =	shalt  }
0x82: {  	_ =	shalt  }
0x83: {  	_ =	shalt  }
0x84: {  	_ =	shalt  }
0x85: {  	_ =	shalt  }
0x86: {  	_ =	shalt  }
0x87: {  	_ =	shalt  }
.Lfunc_end0:
.L_simem_size_0:
called_computation_lowered:
.L_overlay_start_0:
0x88: {  	s2 =	sld [smem:$0x3FD9]  }
0x89: {  	s3 =	sld [smem:$0x3FFE];
	_ =	sdelay $0x1  }
0x8a: {  	s1 =	srdreg.scid  }
0x8b: {  	s0 =	sand.u32 $0x1, s1  }
0x8c: {  	s17 =	sshll.u32 s0, $0xA;
	s2 =	sadd.s32 s3, s2  }
0x8d: {  	s2 =	sadd.s32 s2, s17  }
0x8e: {  	[smem:$0x3FBE] =	sst s2  }
0x8f: {  	_ = 	snop  }
0x90: {  	s2 =	sld [smem:$0x3FC9]  }
0x91: {  	s18 =	sld [smem:$0x3FD0];
	(tm) =	ssettm $0x1  }
0x92: {  	s4 =	sld [smem:$0x3FFB];
	_ =	sdelay $0x3  }
0x93: {  	_ =	strace s4  }
0x94: {  	s4 =	sld [smem:$0x3FFC];
	_ =	sdelay $0x3  }
0x95: {  	_ =	strace s4  }
0x96: {  	s4 =	sld [smem:$0x3FFD];
	_ =	sdelay $0x3  }
0x97: {  	_ =	strace s4  }
0x98: {  	_ =	strace $0x8FFFFFFF  }
0x99: {  	s19 =	sld [smem:$0x3FDB];
	_ =	sdelay $0x1  }
0x9a: {  	s5 =	simm.s32 $_scs_section_size  }
0x9b: {  	s6 =	simm.s32 $_size__tile_overlayer_lowered;
	s7 =	simm.s32 $_tile_overlayer_lowered  }
0x9c: {  	s22 =	simm.s32 $0x1BFF;
	s21 =	sshll.u32 s7, $0x1;
	s4 =	sadd.s32 s5, s19  }
0x9d: {  	s8 =	simm.s32 $0x0;
	s20 =	sshll.u32 s6, $0x1;
	s6 =	sadd.s32 s21, s4  }
0x9e: {  	[timem:s8], [sflag:s22] =	dma.local [hbm:s6], s20  }
0x9f: {  	_ =	swait.ge [sflag:s22], s20  }
0xa0: {  	s5 =	ssub.s32 $0x0, s20;
	[sflag:s22] =	ssyncset.done $0x0  }
0xa1: {  	[sflag:s22] =	ssyncadd.s32 s5;
	_ =	sdelay $0x1  }
0xa2: {  	s23 =	simm.s32 $0x1B8B  }
0xa3: {  	_ =	swait.ge [sflag:s23], $0x1  }
0xa4: {  	[sflag:s23] =	ssyncset.done $0x0  }
0xa5: {  	s25 =	simm.s32 $0x1B8E;
	s24 =	sld [smem:$0x3FFE];
	[sflag:s23] =	ssyncadd.s32 $0xFFFFFFFF  }
0xa6: {  	s26 =	simm.s32 $execute0_lowered;
	[smem:$0x3FD2] =	sst s25  }
0xa7: {  	s6 =	sshll.u32 s26, $0x1;
	_ =	strace $0x80000046;
	[dreg:$0x1] =	wrdreg $0xFFFFFFFF  }
0xa8: {  	s28 =	simm.s32 $_size_execute0_lowered;
	s4 =	sadd.s32 s4, s6;
	[dreg:$0x0] =	wrdreg $0x0  }
0xa9: {  	s6 =	sshll.u32 s28, $0x1;
	[dreg:$0x2] =	wrdreg s4  }
0xaa: {  	[dreg:$0x3] =	wrdreg s6  }
0xab: {  	[dreg:$0x4] =	wrdreg $0xC0  }
0xac: {  	_ =	task [dreg:s8], $0x5FFFF  }
0xad: {  	[dreg:$0x1] =	wrdreg $0xFFFFFFFF  }
0xae: {  	[dreg:$0x0] =	wrdreg $0x60  }
0xaf: {  	[dreg:$0x2] =	wrdreg s2  }
0xb0: {  	[dreg:$0x3] =	wrdreg s24  }
0xb1: {  	[dreg:$0x4] =	wrdreg s18  }
0xb2: {  	[dreg:$0x5] =	wrdreg $0x0  }
0xb3: {  	[dreg:$0x6] =	wrdreg $0x9  }
0xb4: {  	_ =	task.clear_ibuf [dreg:s8], $0x7FFFF;
	_ =	strace $0x90000046  }
0xb5: {  	s29 =	simm.s32 $0x9;
	_ =	strace $0x80000048  }
0xb6: {  	_ =	swait.ge [sflag:s29], $0x1  }
0xb7: {  	[sflag:s29] =	ssyncadd.s32 $0xFFFFFFFF  }
0xb8: {  	_ =	strace $0x90000048  }
0xb9: {  	_ =	sfence  }
0xba: {  	s30 =	sld [smem:$0x0];
	_ =	sdelay $0x2  }
0xbb: {  	s31 =	sshll.u32 s1, $0xD;
	s1 =	sshrl.u32 s1, $0x2  }
0xbc: {  	s3 =	sand.u32 $0x4000, s31;
	s1 =	sadd.s32 s1, s30  }
0xbd: {  	s0 =	sor.u32 s3, s0;
	s1 =	sshll.u32 s1, $0x11  }
0xbe: {  	s0 =	sor.u32 s1, s0  }
0xbf: {  	s0 =	sadd.s32 $0x8F2B, s0  }
0xc0: {  	[sflag:s0] =	ssyncadd.remote.s32 $0x1  }
0xc1: {  	_ =	sfence.sel $0xFFFF  }
0xc2: {  	[dreg:$0x0] =	wrdreg $0xFFFFFFFF;
	(pc) =	sbr.abs _section_cstart, $3  }
0xc3: {  	[dreg:$0x1] =	wrdreg $0xFFFFFFFF  }
0xc4: {  	_ =	task.clear_ibuf [dreg:s8], $0x2FFFF;
	_ =	strace $0x9FFFFFFF  }
0xc5: {  	(tm) =	ssettm $0x7FFFFFFF  }
tec
execute0_lowered:
.L_overlay_start_1:
0x0: {  	(tag) =	ssettag $0x1  }
0x1: {  	s0 =	rddreg [dreg:$0x0]  }
0x2: {  	s4 =	rddreg [dreg:$0x1]  }
0x3: {  	s5 =	rddreg [dreg:$0x2];
	s2 =	srdreg.scid  }
0x4: {  	s1 =	rddreg [dreg:$0x3];
	s8 =	stileid.u32  }
0x5: {  	s28 =	simm.s32 $0x19630;
	s29 =	simm.s32 $0x2;
	s30 =	simm.s32 $0x3  }
0x6: {  	s7 =	sand.u32 $0x1, s2;
	s2 =	simm.s32 $0x0;
	s9 =	smul.u32 $0x30D4, s8  }
0x7: {  	s3 =	sadd.s32 $0x3000, s4;
	s15 =	sadd.s32 $0xC6600, s4;
	s10 =	sshll.u32 s8, $0xA  }
0x8: {  	s16 =	sadd.s32 $0xC6800, s4;
	s17 =	sadd.s32 $0x61D800, s4;
	s12 =	sshll.u32 s8, $0x8  }
0x9: {  	s19 =	smul.u32 $0x61A80, s8;
	s20 =	sshll.u32 s8, $0x5;
	s31 =	sshll.u32 s8, $0x6  }
0xa: {  	s6 =	smul.u32 $0x30D40, s7;
	[smem:$0x7FF] =	sst s2;
	s11 =	sadd.s32 s10, s4  }
0xb: {  	s18 =	ssub.s32 $0x2, s7;
	s13 =	sshll.u32 s7, $0x7;
	s21 =	sadd.s32 s0, s20  }
0xc: {  	p0 =	seq.s32 s7, $0x0;
	_ =	strace $0x80000047;
	[dreg:$0x5] =	wrdreg s15  }
0xd: {  	p1 =	sne.s32 s7, $0x0;
	s7 =	simm.s32 $0x1AE30;
	[dreg:$0x6] =	wrdreg s16  }
0xe: {  	s20 =	simm.s32 $0x0;
	[dreg:$0x7] =	wrdreg s17;
	s14 =	sshrl.u32 s18, $0x1  }
0xf: {  	s12 =	sor.u32 s13, s12;
	[dreg:$0x8] =	wrdreg s21;
	s22 =	sshrl.u32 s19, $0x2  }
0x10: {  	s10 =	sadd.s32 $0xC6A00, s11;
	s11 =	sadd.s32 $0xCAA00, s11;
	s19 =	simm.s32 $0x5  }
0x11: {  	s16 =	simm.s32 $0x0;
	s6 =	sadd.s32 s9, s6;
	s14 =	ssub.s32 s18, s14  }
0x12: {  	s15 =	sshrl.u32 s12, $0x3;
	s12 =	sshll.u32 s12, $0x3;
	s9 =	sadd.s32 s6, s4  }
0x13: {  	s0 =	sadd.s32 s0, s15;
	s24 =	sadd.s32 s5, s12;
	s5 =	simm.s32 $0x7EDA00  }
0x14: {  	s26 =	smax.u32 s14, $0x1;
	s14 =	simm.s32 $0x187B0;
	[dreg:$0x9] =	wrdreg s0  }
0x15: {  	s0 =	sadd.s32 s22, s1;
	s23 =	sadd.s32 $0x6E0E00, s9;
	[dreg:$0xb] =	wrdreg s24  }
0x16: {  	s9 =	sadd.s32 $0x186A00, s1;
	s12 =	sadd.s32 $0x100, s24;
	[dreg:$0xf] =	wrdreg s26  }
0x17: {  	s25 =	sadd.s32 $0x200, s24;
	s5 =	simm.s32 @!p0 $0x742A00;
	[dreg:$0xa] =	wrdreg s23  }
0x18: {  	s6 =	sadd.s32 $0x300, s24;
	p0 =	sne.s32 s8, $0x0;
	[dreg:$0xc] =	wrdreg s12  }
0x19: {  	s26 =	simm.s32 $0x38;
	s24 =	simm.s32 $0x1B930;
	[dreg:$0xd] =	wrdreg s25  }
.Ltmp0:
0x1a: {  	s8 =	simm.s32 $0x1A630;
	[dreg:$0xe] =	wrdreg s6;
	(pc) =	sbr.rel .LBB2_1-.Ltmp0, $4  }
0x1b: {  	s17 =	sadd.s32 s5, s4;
	s4 =	sor.u32 $0x1C05, s31;
	s0 =	sshrl.u32 s0, $0x3  }
0x1c: {  	s25 =	simm.s32 $0x20;
	s5 =	simm.s32 $0x1CF30;
	[dreg:$0x10] =	wrdreg s4  }
0x1d: {  	v0 =	vlaneseq.u32;
	[dreg:$0x11] =	wrdreg s0;
	s0 =	sshrl.u32 @!p0 s9, $0x3;
	s4 =	simm.s32 $0x1  }
0x1e: {  	v1 =	vor.u32 $0x10, v0;
	v2 =	vor.u32 $0x20, v0;
	v3 =	vor.u32 $0x30, v0;
	s9 =	simm.s32 $0x4;
	[dreg:$0x12] =	wrdreg s0;
	s0 =	simm.s32 $0x1B230  }
.LBB2_10:
0x1f: {  	s6 =	rddreg [dreg:$0x7];
	s14 =	simm.s32 $0x187B0  }
0x20: {  	[tilespmem:s8], [sflag:$0x4] =	stream.indirect.gather [hbm4b:s6+s25], $0x40, s14, s25, $0xb8;
	[tilespmem:$0x1D130] =	vst v63  }
0x21: {  	_ =	swait.ge [sflag:s9], $0x800  }
0x22: {  	[sflag:s9] =	ssyncset.done $0x0  }
0x23: {  	s12 =	rddreg [dreg:$0xb];
	[sflag:s9] =	ssyncadd.s32 $0xFFFFF800  }
0x24: {  	[hbm4b:s12+s2] =	stream.linear.scatter [tilespmem:s8], [sflag:$0x5], $0x800, $0x38;
	[tilespmem:$0x1D130] =	vst v63  }
0x25: {  	_ =	swait.ge [sflag:s19], $0x800  }
0x26: {  	[sflag:s19] =	ssyncset.done $0x0  }
0x27: {  	s13 =	simm.s32 $0x187D0;
	[sflag:s19] =	ssyncadd.s32 $0xFFFFF800  }
0x28: {  	[tilespmem:s8], [sflag:$0x4] =	stream.indirect.gather [hbm4b:s6+s25], $0x40, s13, s25, $0xb8;
	[tilespmem:$0x1D130] =	vst v63  }
0x29: {  	_ =	swait.ge [sflag:s9], $0x800  }
0x2a: {  	[sflag:s9] =	ssyncset.done $0x0  }
0x2b: {  	s15 =	rddreg [dreg:$0xc];
	[sflag:s9] =	ssyncadd.s32 $0xFFFFF800  }
0x2c: {  	[hbm4b:s15+s2] =	stream.linear.scatter [tilespmem:s8], [sflag:$0x5], $0x800, $0x38;
	[tilespmem:$0x1D130] =	vst v63  }
0x2d: {  	_ =	swait.ge [sflag:s19], $0x800  }
0x2e: {  	[sflag:s19] =	ssyncset.done $0x0  }
0x2f: {  	s18 =	simm.s32 $0x187F0;
	[sflag:s19] =	ssyncadd.s32 $0xFFFFF800  }
0x30: {  	[tilespmem:s8], [sflag:$0x4] =	stream.indirect.gather [hbm4b:s6+s25], $0x40, s18, s25, $0xb8;
	[tilespmem:$0x1D130] =	vst v63  }
0x31: {  	_ =	swait.ge [sflag:s9], $0x800  }
0x32: {  	[sflag:s9] =	ssyncset.done $0x0  }
0x33: {  	s21 =	rddreg [dreg:$0xd];
	[sflag:s9] =	ssyncadd.s32 $0xFFFFF800  }
0x34: {  	[hbm4b:s21+s2] =	stream.linear.scatter [tilespmem:s8], [sflag:$0x5], $0x800, $0x38;
	[tilespmem:$0x1D130] =	vst v63  }
0x35: {  	_ =	swait.ge [sflag:s19], $0x800  }
0x36: {  	[sflag:s19] =	ssyncset.done $0x0  }
0x37: {  	s22 =	simm.s32 $0x18810;
	[sflag:s19] =	ssyncadd.s32 $0xFFFFF800  }
0x38: {  	[tilespmem:s8], [sflag:$0x4] =	stream.indirect.gather [hbm4b:s6+s25], $0x40, s22, s25, $0xb8;
	[tilespmem:$0x1D130] =	vst v63  }
0x39: {  	_ =	swait.ge [sflag:s9], $0x800  }
0x3a: {  	[sflag:s9] =	ssyncset.done $0x0  }
0x3b: {  	s23 =	rddreg [dreg:$0xe];
	[sflag:s9] =	ssyncadd.s32 $0xFFFFF800  }
0x3c: {  	[hbm4b:s23+s2] =	stream.linear.scatter [tilespmem:s8], [sflag:$0x5], $0x800, $0x38;
	[tilespmem:$0x1D130] =	vst v63  }
0x3d: {  	_ =	swait.ge [sflag:s19], $0x800  }
0x3e: {  	s20 =	sadd.s32 $0x1, s20;
	s31 =	rddreg [dreg:$0xf]  }
0x3f: {  	p2 =	sne.s32 s20, s31  }
.Ltmp1:
0x40: {  	_ = 	snop;
	(pc) =	sbr.rel @!p2 .LBB2_11-.Ltmp1, $3  }
0x41: {  	_ =	sdelay $0x1  }
0x42: {  	[sflag:s19] =	ssyncset.done $0x0  }
0x43: {  	[sflag:s19] =	ssyncadd.s32 $0xFFFFF800  }
.LBB2_1:
0x44: {  	s6 =	rddreg [dreg:$0x8];
	s13 =	simm.s32 $0x186B0  }
0x45: {  	[tilespmem:s13], [sflag:$0x5] =	stream.linear.gather [hbm4b:s6+s2], $0x100, $0x38;
	[tilespmem:$0x1D130] =	vst v63  }
0x46: {  	_ =	swait.ge [sflag:s19], $0x100  }
0x47: {  	[sflag:s19] =	ssyncset.done $0x0  }
0x48: {  	s22 =	rddreg [dreg:$0x9];
	[sflag:s19] =	ssyncadd.s32 $0xFFFFFF00  }
0x49: {  	[tilespmem:s14], [sflag:$0x5] =	stream.linear.gather [hbm4b:s22+s2], $0x80, $0x38;
	[tilespmem:$0x1D130] =	vst v63  }
0x4a: {  	_ =	swait.ge [sflag:s19], $0x80  }
0x4b: {  	s23 =	rddreg [dreg:$0xa]  }
0x4c: {  	[sflag:s19] =	ssyncset.done $0x0;
	s12 =	rddreg [dreg:$0x10]  }
0x4d: {  	s31 =	rddreg [dreg:$0x11];
	[sflag:s19] =	ssyncadd.s32 $0xFFFFFF80  }
0x4e: {  	[spmem:s31], [sflag:s12] =	dma.local [hbm:s23], $0x30D4  }
0x4f: {  	_ =	swait.ge [sflag:s19], $0x30D4  }
0x50: {  	[sflag:s19] =	ssyncset.done $0x0;
	s6 =	rddreg [dreg:$0x5]  }
0x51: {  	s14 =	rddreg [dreg:$0x12];
	[sflag:s19] =	ssyncadd.s32 $0xFFFFCF2C  }
0x52: {  	[spmem:s14], [sflag:s12] =	dma.local @!p0 [hbm:s6], $0x20  }
0x53: {  	s12 =	simm.s32 @!p0 $0x5  }
0x54: {  	_ =	swait.ge @!p0 [sflag:s12], $0x20  }
0x55: {  	[sflag:s12] =	ssyncset.done @!p0 $0x0  }
0x56: {  	s18 =	simm.s32 $0x1CE30;
	s15 =	rddreg [dreg:$0x6];
	[sflag:s12] =	ssyncadd.s32 @!p0 $0xFFFFFFE0  }
0x57: {  	[tilespmem:s18], [sflag:$0x5] =	stream.linear.gather [hbm4b:s15+s2], $0x100, $0x38;
	[tilespmem:$0x1D130] =	vst v63  }
0x58: {  	_ =	swait.ge [sflag:s19], $0x100  }
0x59: {  	[sflag:s19] =	ssyncset.done $0x0  }
0x5a: {  	[sflag:s19] =	ssyncadd.s32 $0xFFFFFF00  }
0x5b: {  	v4 =	vld [tilespmem:$0x1CE30];
	_ =	sdelay $0x1  }
0x5c: {  	v5 =	vld [tilespmem:$0x1CE40];
	_ =	sdelay $0x1  }
0x5d: {  	v6 =	vld [tilespmem:$0x1CE50]  }
0x5e: {  	v51 =	vld [tilespmem:$0x1CE60];
	v7 =	vshll.u32 v4, $0x10  }
0x5f: {  	v55 =	vld [tilespmem:$0x1CEA0];
	v4 =	vand.u32 $0xFFFF0000, v4;
	[tilespmem:$0x1CF30] =	vst v7  }
0x60: {  	v59 =	vld [tilespmem:$0x1CEE0];
	[tilespmem:$0x1CF40] =	vst v4;
	v4 =	vshll.u32 v5, $0x10  }
0x61: {  	v5 =	vand.u32 $0xFFFF0000, v5;
	[tilespmem:$0x1CF50] =	vst v4  }
0x62: {  	v4 =	vld [tilespmem:$0x1CE70];
	[tilespmem:$0x1CF60] =	vst v5;
	v5 =	vshll.u32 v6, $0x10  }
0x63: {  	v52 =	vshll.u32 v51, $0x10;
	[tilespmem:$0x1CF70] =	vst v5;
	v5 =	vld [tilespmem:$0x1CE80]  }
0x64: {  	v56 =	vshll.u32 v55, $0x10;
	[tilespmem:$0x1CF90] =	vst v52  }
0x65: {  	v53 =	vld [tilespmem:$0x1CE90];
	v60 =	vshll.u32 v59, $0x10;
	[tilespmem:$0x1D010] =	vst v56  }
0x66: {  	v7 =	vand.u32 $0xFFFF0000, v51;
	[tilespmem:$0x1D090] =	vst v60  }
0x67: {  	[tilespmem:$0x1CFA0] =	vst v7;
	v54 =	vshll.u32 v4, $0x10;
	v4 =	vand.u32 $0xFFFF0000, v4  }
0x68: {  	[tilespmem:$0x1CFC0] =	vst v4;
	v4 =	vshll.u32 v5, $0x10  }
0x69: {  	v5 =	vand.u32 $0xFFFF0000, v5;
	[tilespmem:$0x1CFD0] =	vst v4  }
0x6a: {  	v4 =	vld [tilespmem:$0x1CEB0];
	[tilespmem:$0x1CFE0] =	vst v5;
	v5 =	vshll.u32 v53, $0x10  }
0x6b: {  	v6 =	vand.u32 $0xFFFF0000, v6;
	[tilespmem:$0x1CFF0] =	vst v5;
	v5 =	vld [tilespmem:$0x1CEC0]  }
0x6c: {  	v7 =	vand.u32 $0xFFFF0000, v55;
	[tilespmem:$0x1CF80] =	vst v6  }
0x6d: {  	v57 =	vld [tilespmem:$0x1CED0];
	v6 =	vand.u32 $0xFFFF0000, v53;
	[tilespmem:$0x1D020] =	vst v7  }
0x6e: {  	v7 =	vand.u32 $0xFFFF0000, v59;
	[tilespmem:$0x1D000] =	vst v6  }
0x6f: {  	[tilespmem:$0x1D0A0] =	vst v7;
	v58 =	vshll.u32 v4, $0x10;
	v4 =	vand.u32 $0xFFFF0000, v4  }
0x70: {  	[tilespmem:$0x1D040] =	vst v4;
	v4 =	vshll.u32 v5, $0x10  }
0x71: {  	v5 =	vand.u32 $0xFFFF0000, v5;
	[tilespmem:$0x1D050] =	vst v4;
	v4 =	vld [tilespmem:$0x1CEF0]  }
0x72: {  	[tilespmem:$0x1D060] =	vst v5;
	v5 =	vshll.u32 v57, $0x10  }
0x73: {  	v6 =	vand.u32 $0xFFFF0000, v57;
	[tilespmem:$0x1D070] =	vst v5;
	v5 =	vld [tilespmem:$0x1CF00]  }
0x74: {  	[tilespmem:$0x1D080] =	vst v6  }
0x75: {  	v61 =	vld [tilespmem:$0x1CF10];
	[tilespmem:$0x1CFB0] =	vst v54  }
0x76: {  	[tilespmem:$0x1D030] =	vst v58;
	v62 =	vshll.u32 v4, $0x10  }
0x77: {  	v63 =	vld [tilespmem:$0x1CF20];
	v4 =	vand.u32 $0xFFFF0000, v4;
	[tilespmem:$0x1D0B0] =	vst v62  }
0x78: {  	[tilespmem:$0x1D0C0] =	vst v4;
	v4 =	vshll.u32 v5, $0x10  }
0x79: {  	v5 =	vand.u32 $0xFFFF0000, v5;
	[tilespmem:$0x1D0D0] =	vst v4  }
0x7a: {  	[tilespmem:$0x1D0E0] =	vst v5;
	v4 =	vshll.u32 v61, $0x10  }
0x7b: {  	v5 =	vand.u32 $0xFFFF0000, v61;
	[tilespmem:$0x1D0F0] =	vst v4  }
0x7c: {  	v4 =	vshll.u32 v63, $0x10;
	[tilespmem:$0x1D100] =	vst v5  }
0x7d: {  	v5 =	vand.u32 $0xFFFF0000, v63;
	[tilespmem:$0x1D110] =	vst v4  }
0x7e: {  	[tilespmem:$0x1D120] =	vst v5  }
0x7f: {  	s21 =	simm.s32 $0x18830;
	[bflag:$0x0] =	sbarrier.arrive $0xFFFF  }
0x80: {  	[tilespmem:s21], [sflag:$0x2] =	stream.indirect.gather [hbm4b:s17+s25], $0x38, s13, s25, $0xb8;
	[tilespmem:$0x1D130] =	vst v63  }
0x81: {  	_ = 	snop  }
0x82: {  	[tilespmem:s28], [sflag:$0x3] =	stream.indirect.gather [hbm4b:s3+s25], $0x40, s13, s25, $0xb8;
	[tilespmem:$0x1D130] =	vst v63  }
0x83: {  	_ =	swait.ge [sflag:s29], $0x700  }
0x84: {  	[sflag:s29] =	ssyncset.done $0x0  }
0x85: {  	[sflag:s29] =	ssyncadd.s32 $0xFFFFF900  }
0x86: {  	_ =	swait.ge [sflag:s30], $0x800  }
0x87: {  	[sflag:s30] =	ssyncset.done $0x0  }
0x88: {  	s22 =	simm.s32 $0x186D0;
	s23 =	simm.s32 $0x18F30;
	[sflag:s30] =	ssyncadd.s32 $0xFFFFF800  }
0x89: {  	[tilespmem:s23], [sflag:$0x2] =	stream.indirect.gather [hbm4b:s17+s25], $0x38, s22, s25, $0xb8;
	[tilespmem:$0x1D130] =	vst v63  }
0x8a: {  	s31 =	simm.s32 $0x19E30;
	s13 =	simm.s32 $0x0  }
0x8b: {  	[tilespmem:s31], [sflag:$0x3] =	stream.indirect.gather [hbm4b:s3+s25], $0x40, s22, s25, $0xb8;
	[tilespmem:$0x1D130] =	vst v63  }
.LBB2_2:
0x8c: {  	s14 =	sand.u32 $0x1, s13  }
0x8d: {  	s12 =	smul.u32 $0x1C00, s14;
	_ =	sdelay $0x1  }
0x8e: {  	s12 =	sshrl.u32 s12, $0x2  }
0x8f: {  	s15 =	sor.u32 $0x18830, s12  }
0x90: {  	v4 =	vmov s14;
	[tilespmem:s0], [sflag:$0x1] =	stream.indirect.gather [spmem:s1], $0x20, s15, s26, $0xb8;
	[tilespmem:$0x1D130] =	vst v63  }
0x91: {  	p2 =	por $0x0, $0x0;
	s31 =	simm.s32 $0x0;
	v4 =	vshll.u32 v4, $0xB;
	s12 =	sor.u32 $0x18868, s12  }
0x92: {  	v5 =	vor.u32 $0x38, v4;
	[tilespmem:s24], [sflag:$0x1] =	stream.indirect.gather [spmem:s1], $0x20, s12, s26, $0xb8;
	[tilespmem:$0x1D130] =	vst v63  }
.LBB2_3:
0x93: {  	_ =	swait.ge [sflag:s4], $0x700  }
0x94: {  	s22 =	sshll.u32 s31, $0x1;
	s12 =	sand.u32 $0x1, s31;
	p3 =	seq.s32 s31, $0xF  }
0x95: {  	v7 =	vmov s16;
	[sflag:s4] =	ssyncset.done $0x0;
	v6 =	vmov s22;
	s12 =	sxor.u32 @!p3 $0x1, s12;
	s18 =	smul.u32 @!p3 $0x1C0, s31  }
0x96: {  	v7 =	vand.u32 $0x3F, v7;
	[sflag:s4] =	ssyncadd.s32 $0xFFFFF900;
	v6 =	vshll.u32 v6, $0x6;
	s12 =	smul.u32 @!p3 $0x3800, s12  }
0x97: {  	s6 =	simm.s32 @!p3 $0x38;
	_ =	swait.ge [sflag:s4], $0x700;
	v7 =	vor.u32 v7, v6;
	s18 =	sshra.s32 @!p3 s18, $0x2  }
0x98: {  	[sflag:s4] =	ssyncset.done $0x0;
	v7 =	vor.u32 v4, v7;
	s12 =	sshrl.u32 @!p3 s12, $0x2;
	s18 =	sadd.s32 @!p3 s18, s15  }
0x99: {  	[sflag:s4] =	ssyncadd.s32 $0xFFFFF900;
	v7 =	vbroadcast v7, $0x0;
	s23 =	sadd.s32 @!p3 $0x1B230, s12;
	s21 =	sadd.s32 @!p3 $0x70, s18  }
0x9a: {  	[tilespmem:s23], [sflag:$0x1] =	stream.indirect.gather @!p3 [spmem:s1], $0x20, s21, s6, $0xb8;
	[tilespmem:$0x1D130] =	vst v63  }
0x9b: {  	s23 =	simm.s32 $0x1  }
0x9c: {  	v8 =	vmov s23  }
0x9d: {  	s12 =	sadd.s32 @!p3 $0x1B930, s12;
	s18 =	sadd.s32 @!p3 $0xA8, s18;
	v8 =	vand.u32 $0x3F, v8  }
0x9e: {  	[tilespmem:s12], [sflag:$0x1] =	stream.indirect.gather @!p3 [spmem:s1], $0x20, s18, s6, $0xb8;
	v8 =	vor.u32 v8, v6;
	[tilespmem:$0x1D130] =	vst v63  }
0x9f: {  	v8 =	vor.u32 v4, v8;
	v7 =	vld.idx.msk [tilespmem:v7+s28+$0x0], $0xffff  }
0xa0: {  	v8 =	vbroadcast v8, $0x0;
	_ =	sdelay $0x1  }
0xa1: {  	s6 =	simm.s32 $0x1  }
0xa2: {  	s18 =	simm.s32 $0x2;
	s6 =	simm.s32 @!p2 $0x0  }
0xa3: {  	v10 =	vmov s18;
	s6 =	smul.u32 $0x3800, s6;
	v7 =	vshll.u32 v7, $0x6  }
0xa4: {  	v10 =	vand.u32 $0x3F, v10;
	v9 =	vor.u32 v3, v7  }
0xa5: {  	v10 =	vor.u32 v10, v6;
	s6 =	sshrl.u32 s6, $0x2;
	v11 =	vor.u32 v0, v7;
	v8 =	vld.idx.msk [tilespmem:v8+s28+$0x0], $0xffff  }
0xa6: {  	s21 =	sadd.s32 $0x1B240, s6;
	v12 =	vor.u32 v1, v7;
	v13 =	vor.u32 v2, v7;
	v7 =	vor.u32 v4, v10  }
0xa7: {  	v15 =	vld [tilespmem:s21+$0xFFFFFFF0];
	v14 =	vbroadcast v7, $0x0  }
0xa8: {  	v10 =	vld [tilespmem:s21+$0x0]  }
0xa9: {  	v9 =	vld.idx.msk [tilespmem:v9+s5+$0x0], $0xffff  }
0xaa: {  	s23 =	simm.s32 $0x3;
	v11 =	vld.idx.msk [tilespmem:v11+s5+$0x0], $0xffff;
	v8 =	vshll.u32 v8, $0x6  }
0xab: {  	v18 =	vmov s23;
	v13 =	vld.idx.msk [tilespmem:v13+s5+$0x0], $0xffff;
	v16 =	vor.u32 v3, v8  }
0xac: {  	v18 =	vand.u32 $0x3F, v18;
	v7 =	vimm.f32 $0.0e+00;
	v12 =	vld.idx.msk [tilespmem:v12+s5+$0x0], $0xffff;
	v17 =	vor.u32 v0, v8  }
0xad: {  	v19 =	vor.u32 v1, v8;
	v21 =	vor.u32 v2, v8;
	v8 =	vand.u32 $0xFFFF0000, v10;
	v14 =	vld.idx.msk [tilespmem:v14+s28+$0x0], $0xffff  }
0xae: {  	s12 =	sadd.s32 $0x20, s21;
	v20 =	vshll.u32 v15, $0x10;
	v8 =	vadd.f32 v8, v9;
	v9 =	vor.u32 v18, v6  }
0xaf: {  	v10 =	vshll.u32 v10, $0x10;
	v18 =	vadd.f32 v20, v11;
	v11 =	vld [tilespmem:s12+$0x0];
	v9 =	vor.u32 v4, v9  }
0xb0: {  	s21 =	simm.s32 $0x4;
	v15 =	vand.u32 $0xFFFF0000, v15;
	v13 =	vadd.f32 v10, v13;
	v16 =	vld.idx.msk [tilespmem:v16+s5+$0x0], $0xffff;
	v20 =	vbroadcast v9, $0x0  }
0xb1: {  	v24 =	vmov s21;
	v12 =	vadd.f32 v15, v12;
	v9 =	vmax.f32 v18, $0.0e+00;
	v18 =	vld [tilespmem:s12+$0xFFFFFFF0]  }
0xb2: {  	v8 =	vmax.f32 v8, $0.0e+00;
	v23 =	vshll.u32 v14, $0x6;
	v14 =	vmax.f32 v13, $0.0e+00  }
0xb3: {  	v17 =	vld.idx.msk [tilespmem:v17+s5+$0x0], $0xffff;
	v10 =	vadd.f32 v8, v7;
	v8 =	vadd.f32 v9, v7;
	v9 =	vmax.f32 v12, $0.0e+00  }
0xb4: {  	v19 =	vld.idx.msk [tilespmem:v19+s5+$0x0], $0xffff;
	v15 =	vor.u32 v0, v23;
	v12 =	vor.u32 v1, v23;
	v22 =	vor.u32 v3, v23  }
0xb5: {  	s18 =	simm.s32 $0x5;
	s23 =	sadd.s32 $0x1B940, s6;
	v21 =	vld.idx.msk [tilespmem:v21+s5+$0x0], $0xffff;
	v13 =	vor.u32 v2, v23;
	v9 =	vadd.f32 v9, v7;
	v23 =	vand.u32 $0xFFFF0000, v11  }
.LBB2_4:
0xb6: {  	p3 =	sne.s32 s18, $0x31;
	v24 =	vand.u32 $0x3F, v24;
	v25 =	vld.idx.msk [tilespmem:v20+s28+$0x0], $0xffff;
	v20 =	vshll.u32 v18, $0x10;
	v16 =	vadd.f32 v23, v16  }
0xb7: {  	v18 =	vand.u32 $0xFFFF0000, v18;
	s12 =	sadd.s32 $0x20, s12;
	v23 =	vor.u32 v24, v6;
	v24 =	vshll.u32 v11, $0x10  }
0xb8: {  	v17 =	vadd.f32 v20, v17;
	v23 =	vor.u32 v4, v23;
	v11 =	vld [tilespmem:s12+$0x0];
	v26 =	vmax.f32 v16, $0.0e+00  }
0xb9: {  	v19 =	vadd.f32 v18, v19;
	v20 =	vbroadcast v23, $0x0;
	v16 =	vld.idx.msk [tilespmem:v22+s5+$0x0], $0xffff;
	v10 =	vadd.f32 v26, v10  }
.Ltmp2:
0xba: {  	v7 =	vadd.f32 v14, v7;
	v22 =	vmax.f32 v17, $0.0e+00;
	v21 =	vadd.f32 v24, v21;
	v18 =	vld [tilespmem:s12+$0xFFFFFFF0];
	(pc) =	sbr.rel @p3 .LBB2_4-.Ltmp2, $4  }
0xbb: {  	v8 =	vadd.f32 v22, v8;
	v14 =	vmax.f32 v19, $0.0e+00;
	v17 =	vld.idx.msk [tilespmem:v15+s5+$0x0], $0xffff  }
0xbc: {  	v23 =	vshll.u32 v25, $0x6;
	v9 =	vadd.f32 v14, v9;
	v14 =	vmax.f32 v21, $0.0e+00;
	v19 =	vld.idx.msk [tilespmem:v12+s5+$0x0], $0xffff  }
0xbd: {  	v15 =	vor.u32 v0, v23;
	v12 =	vor.u32 v1, v23;
	v22 =	vor.u32 v3, v23;
	v21 =	vld.idx.msk [tilespmem:v13+s5+$0x0], $0xffff  }
0xbe: {  	v24 =	vmov s18;
	s18 =	sadd.s32 $0x1, s18;
	v13 =	vor.u32 v2, v23;
	v23 =	vand.u32 $0xFFFF0000, v11  }
0xbf: {  	_ = 	snop  }
0xc0: {  	v24 =	vand.u32 $0x3F, v24  }
0xc1: {  	v24 =	vor.u32 v24, v6  }
0xc2: {  	v24 =	vor.u32 v4, v24  }
0xc3: {  	v20 =	vld.idx.msk [tilespmem:v20+s28+$0x0], $0xffff;
	v24 =	vbroadcast v24, $0x0  }
0xc4: {  	v16 =	vadd.f32 v23, v16;
	v22 =	vld.idx.msk [tilespmem:v22+s5+$0x0], $0xffff  }
0xc5: {  	v23 =	vshll.u32 v18, $0x10;
	v18 =	vand.u32 $0xFFFF0000, v18;
	v15 =	vld.idx.msk [tilespmem:v15+s5+$0x0], $0xffff;
	v6 =	vadd.s32 v5, v6  }
0xc6: {  	s6 =	sadd.s32 $0x20, s12;
	v11 =	vshll.u32 v11, $0x10;
	v13 =	vld.idx.msk [tilespmem:v13+s5+$0x0], $0xffff;
	v17 =	vadd.f32 v23, v17;
	v6 =	vbroadcast v6, $0x0  }
0xc7: {  	v7 =	vadd.f32 v14, v7;
	v25 =	vld [tilespmem:s6+$0x0];
	v16 =	vmax.f32 v16, $0.0e+00;
	v18 =	vadd.f32 v18, v19  }
0xc8: {  	v23 =	vld [tilespmem:s6+$0xFFFFFFF0];
	v10 =	vadd.f32 v16, v10;
	v16 =	vmax.f32 v17, $0.0e+00;
	v20 =	vshll.u32 v20, $0x6  }
0xc9: {  	v11 =	vadd.f32 v11, v21;
	v14 =	vmax.f32 v18, $0.0e+00;
	v18 =	vor.u32 v0, v20;
	v17 =	vld.idx.msk [tilespmem:v24+s28+$0x0], $0xffff  }
0xca: {  	v12 =	vld.idx.msk [tilespmem:v12+s5+$0x0], $0xffff;
	s6 =	sadd.s32 $0x20, s6;
	v8 =	vadd.f32 v16, v8;
	v9 =	vadd.f32 v14, v9;
	v19 =	vor.u32 v3, v20  }
0xcb: {  	v21 =	vld [tilespmem:s6+$0x0];
	v11 =	vmax.f32 v11, $0.0e+00;
	v14 =	vor.u32 v1, v20;
	v16 =	vor.u32 v2, v20  }
0xcc: {  	v20 =	vand.u32 $0xFFFF0000, v25;
	v25 =	vshll.u32 v25, $0x10;
	v7 =	vadd.f32 v11, v7;
	v6 =	vld.idx.msk [tilespmem:v6+s28+$0x0], $0xffff  }
0xcd: {  	v20 =	vadd.f32 v20, v22;
	v22 =	vshll.u32 v23, $0x10;
	v23 =	vand.u32 $0xFFFF0000, v23;
	v24 =	vld [tilespmem:s6+$0xFFFFFFF0]  }
0xce: {  	v13 =	vadd.f32 v25, v13;
	v15 =	vadd.f32 v22, v15;
	v18 =	vld.idx.msk [tilespmem:v18+s5+$0x0], $0xffff;
	v17 =	vshll.u32 v17, $0x6  }
0xcf: {  	v12 =	vadd.f32 v23, v12;
	v20 =	vmax.f32 v20, $0.0e+00;
	v19 =	vld.idx.msk [tilespmem:v19+s5+$0x0], $0xffff;
	v22 =	vor.u32 v3, v17  }
0xd0: {  	s6 =	sadd.s32 $0x20, s6;
	v10 =	vadd.f32 v20, v10;
	v15 =	vmax.f32 v15, $0.0e+00;
	v14 =	vld.idx.msk [tilespmem:v14+s5+$0x0], $0xffff;
	v20 =	vor.u32 v0, v17  }
0xd1: {  	v23 =	vand.u32 $0xFFFF0000, v21;
	v11 =	vld [tilespmem:s6+$0x0];
	v8 =	vadd.f32 v15, v8;
	v15 =	vor.u32 v1, v17  }
0xd2: {  	v12 =	vmax.f32 v12, $0.0e+00;
	v16 =	vld.idx.msk [tilespmem:v16+s5+$0x0], $0xffff;
	v25 =	vshll.u32 v24, $0x10;
	v17 =	vor.u32 v2, v17  }
0xd3: {  	v9 =	vadd.f32 v12, v9;
	v12 =	vmax.f32 v13, $0.0e+00;
	v13 =	vadd.f32 v25, v18;
	v18 =	vld [tilespmem:s6+$0xFFFFFFF0]  }
0xd4: {  	v19 =	vadd.f32 v23, v19;
	v23 =	vand.u32 $0xFFFF0000, v24;
	v22 =	vld.idx.msk [tilespmem:v22+s5+$0x0], $0xffff  }
0xd5: {  	v21 =	vshll.u32 v21, $0x10;
	v14 =	vadd.f32 v23, v14;
	v20 =	vld.idx.msk [tilespmem:v20+s5+$0x0], $0xffff  }
0xd6: {  	v7 =	vadd.f32 v12, v7;
	v6 =	vmax.f32 v6, $1.000000000e+00;
	v13 =	vmax.f32 v13, $0.0e+00;
	v12 =	vld.idx.msk [tilespmem:v15+s5+$0x0], $0xffff  }
0xd7: {  	v16 =	vadd.f32 v21, v16;
	v8 =	vadd.f32 v13, v8;
	v13 =	vmax.f32 v14, $0.0e+00;
	v14 =	vld.idx.msk [tilespmem:v17+s5+$0x0], $0xffff  }
0xd8: {  	(erf) = vrcp.f32 v6;
	v6 =	vand.u32 $0xFFFF0000, v11;
	v19 =	vmax.f32 v19, $0.0e+00  }
0xd9: {  	v11 =	vshll.u32 v11, $0x10;
	v10 =	vadd.f32 v19, v10;
	v15 =	vmax.f32 v16, $0.0e+00  }
0xda: {  	v9 =	vadd.f32 v13, v9;
	v13 =	vshll.u32 v18, $0x10;
	v7 =	vadd.f32 v15, v7  }
0xdb: {  	s12 =	simm.s32 $0x0;
	v16 =	vand.u32 $0xFFFF0000, v18;
	v6 =	vadd.f32 v6, v22;
	v13 =	vadd.f32 v13, v20  }
0xdc: {  	s22 =	sor.u32 $0x1, s22;
	v12 =	vadd.f32 v16, v12;
	v11 =	vadd.f32 v11, v14;
	v14 =	vmov s12  }
0xdd: {  	v14 =	vand.u32 $0x3F, v14;
	v17 =	vmax.f32 v6, $0.0e+00;
	v6 =	vmov s22  }
0xde: {  	v13 =	vmax.f32 v13, $0.0e+00;
	v11 =	vmax.f32 v11, $0.0e+00;
	v6 =	vshll.u32 v6, $0x6  }
0xdf: {  	v12 =	vmax.f32 v12, $0.0e+00;
	v8 =	vadd.f32 v13, v8;
	v13 =	vor.u32 v14, v6  }
0xe0: {  	v9 =	vadd.f32 v12, v9;
	v12 =	vor.u32 v4, v13  }
0xe1: {  	v10 =	vadd.f32 v17, v10;
	v7 =	vadd.f32 v11, v7;
	v11 =	vpop (erf);
	v12 =	vbroadcast v12, $0x0  }
0xe2: {  	v8 =	vmul.f32 v11, v8;
	v9 =	vmul.f32 v11, v9  }
0xe3: {  	s18 =	sshll.u32 s31, $0x6;
	v7 =	vmul.f32 v11, v7;
	v10 =	vmul.f32 v11, v10  }
0xe4: {  	s21 =	simm.s32 $0x1;
	s6 =	sand.u32 $0x3FFFFFC0, s18;
	v8 =	vpack.i.f32.bf16 v9, v8  }
0xe5: {  	v9 =	vmov s21;
	v7 =	vpack.i.f32.bf16 v10, v7;
	[tilespmem:s6+$0x1AE30] =	vst v8  }
0xe6: {  	[tilespmem:s6+$0x1AE40] =	vst v7;
	v7 =	vand.u32 $0x3F, v9  }
0xe7: {  	v7 =	vor.u32 v7, v6;
	v8 =	vld.idx.msk [tilespmem:v12+s28+$0x0], $0xffff  }
0xe8: {  	v7 =	vor.u32 v4, v7  }
0xe9: {  	s18 =	simm.s32 $0x2;
	v7 =	vbroadcast v7, $0x0  }
0xea: {  	v10 =	vmov s18  }
0xeb: {  	v10 =	vand.u32 $0x3F, v10  }
0xec: {  	v10 =	vor.u32 v10, v6;
	v8 =	vshll.u32 v8, $0x6  }
0xed: {  	v10 =	vor.u32 v4, v10;
	v9 =	vor.u32 v3, v8  }
0xee: {  	v10 =	vbroadcast v10, $0x0;
	v11 =	vor.u32 v0, v8  }
0xef: {  	v7 =	vld.idx.msk [tilespmem:v7+s28+$0x0], $0xffff  }
0xf0: {  	v13 =	vld [tilespmem:s23+$0x0];
	v12 =	vor.u32 v1, v8  }
0xf1: {  	v14 =	vld [tilespmem:s23+$0xFFFFFFF0];
	v8 =	vor.u32 v2, v8  }
0xf2: {  	s21 =	simm.s32 $0x3;
	v9 =	vld.idx.msk [tilespmem:v9+s5+$0x0], $0xffff  }
0xf3: {  	v19 =	vmov s21;
	v11 =	vld.idx.msk [tilespmem:v11+s5+$0x0], $0xffff  }
0xf4: {  	s12 =	sadd.s32 $0x20, s23;
	v19 =	vand.u32 $0x3F, v19;
	s23 =	simm.s32 $0x4;
	v20 =	vld.idx.msk [tilespmem:v10+s28+$0x0], $0xffff;
	v15 =	vshll.u32 v7, $0x6  }
0xf5: {  	v24 =	vmov s23;
	v12 =	vld.idx.msk [tilespmem:v12+s5+$0x0], $0xffff;
	v16 =	vor.u32 v0, v15;
	v17 =	vor.u32 v3, v15  }
0xf6: {  	v8 =	vld.idx.msk [tilespmem:v8+s5+$0x0], $0xffff;
	v18 =	vor.u32 v1, v15;
	v23 =	vor.u32 v2, v15;
	v15 =	vand.u32 $0xFFFF0000, v13  }
0xf7: {  	v10 =	vshll.u32 v14, $0x10;
	v9 =	vadd.f32 v15, v9;
	v15 =	vor.u32 v19, v6  }
0xf8: {  	v14 =	vand.u32 $0xFFFF0000, v14;
	v11 =	vadd.f32 v10, v11;
	v10 =	vld [tilespmem:s12+$0x0];
	v15 =	vor.u32 v4, v15  }
0xf9: {  	v7 =	vimm.f32 $0.0e+00;
	v25 =	vshll.u32 v20, $0x6;
	v19 =	vld [tilespmem:s12+$0xFFFFFFF0];
	v21 =	vbroadcast v15, $0x0  }
0xfa: {  	v13 =	vshll.u32 v13, $0x10;
	v22 =	vor.u32 v3, v25;
	v12 =	vadd.f32 v14, v12;
	v15 =	vld.idx.msk [tilespmem:v17+s5+$0x0], $0xffff  }
0xfb: {  	v13 =	vadd.f32 v13, v8;
	v20 =	vld.idx.msk [tilespmem:v18+s5+$0x0], $0xffff;
	v9 =	vmax.f32 v9, $0.0e+00;
	v14 =	vmax.f32 v11, $0.0e+00  }
0xfc: {  	v18 =	vor.u32 v0, v25;
	v17 =	vld.idx.msk [tilespmem:v16+s5+$0x0], $0xffff;
	v11 =	vadd.f32 v9, v7;
	v8 =	vadd.f32 v14, v7  }
0xfd: {  	v9 =	vmax.f32 v12, $0.0e+00;
	v12 =	vmax.f32 v13, $0.0e+00;
	v14 =	vor.u32 v1, v25  }
0xfe: {  	s18 =	simm.s32 $0x5;
	v16 =	vld.idx.msk [tilespmem:v23+s5+$0x0], $0xffff;
	v13 =	vor.u32 v2, v25;
	v9 =	vadd.f32 v9, v7;
	v23 =	vand.u32 $0xFFFF0000, v10  }
.LBB2_6:
0xff: {  	p3 =	sne.s32 s18, $0x31;
	v24 =	vand.u32 $0x3F, v24;
	v25 =	vld.idx.msk [tilespmem:v21+s28+$0x0], $0xffff;
	v21 =	vshll.u32 v19, $0x10;
	v15 =	vadd.f32 v23, v15  }
0x100: {  	v19 =	vand.u32 $0xFFFF0000, v19;
	s12 =	sadd.s32 $0x20, s12;
	v23 =	vor.u32 v24, v6;
	v24 =	vshll.u32 v10, $0x10  }
0x101: {  	v17 =	vadd.f32 v21, v17;
	v23 =	vor.u32 v4, v23;
	v10 =	vld [tilespmem:s12+$0x0];
	v26 =	vmax.f32 v15, $0.0e+00  }
0x102: {  	v20 =	vadd.f32 v19, v20;
	v21 =	vbroadcast v23, $0x0;
	v15 =	vld.idx.msk [tilespmem:v22+s5+$0x0], $0xffff;
	v11 =	vadd.f32 v26, v11  }
.Ltmp3:
0x103: {  	v7 =	vadd.f32 v12, v7;
	v22 =	vmax.f32 v17, $0.0e+00;
	v16 =	vadd.f32 v24, v16;
	v19 =	vld [tilespmem:s12+$0xFFFFFFF0];
	(pc) =	sbr.rel @p3 .LBB2_6-.Ltmp3, $4  }
0x104: {  	v8 =	vadd.f32 v22, v8;
	v12 =	vmax.f32 v20, $0.0e+00;
	v17 =	vld.idx.msk [tilespmem:v18+s5+$0x0], $0xffff  }
0x105: {  	v23 =	vshll.u32 v25, $0x6;
	v9 =	vadd.f32 v12, v9;
	v12 =	vmax.f32 v16, $0.0e+00;
	v20 =	vld.idx.msk [tilespmem:v14+s5+$0x0], $0xffff  }
0x106: {  	v18 =	vor.u32 v0, v23;
	v14 =	vor.u32 v1, v23;
	v22 =	vor.u32 v3, v23;
	v16 =	vld.idx.msk [tilespmem:v13+s5+$0x0], $0xffff  }
0x107: {  	v24 =	vmov s18;
	s18 =	sadd.s32 $0x1, s18;
	v13 =	vor.u32 v2, v23;
	v23 =	vand.u32 $0xFFFF0000, v10  }
0x108: {  	_ =	sdelay $0x1  }
0x109: {  	v24 =	vand.u32 $0x3F, v24  }
0x10a: {  	v24 =	vor.u32 v24, v6  }
0x10b: {  	v21 =	vld.idx.msk [tilespmem:v21+s28+$0x0], $0xffff;
	v24 =	vor.u32 v4, v24  }
0x10c: {  	v22 =	vld.idx.msk [tilespmem:v22+s5+$0x0], $0xffff;
	v24 =	vbroadcast v24, $0x0  }
0x10d: {  	v18 =	vld.idx.msk [tilespmem:v18+s5+$0x0], $0xffff  }
0x10e: {  	v15 =	vadd.f32 v23, v15;
	v32 =	vshll.u32 v19, $0x10;
	v14 =	vld.idx.msk [tilespmem:v14+s5+$0x0], $0xffff  }
0x10f: {  	s6 =	sadd.s32 $0x20, s12;
	v33 =	vand.u32 $0xFFFF0000, v19;
	v10 =	vshll.u32 v10, $0x10;
	v13 =	vld.idx.msk [tilespmem:v13+s5+$0x0], $0xffff;
	v17 =	vadd.f32 v32, v17  }
0x110: {  	v25 =	vld [tilespmem:s6+$0x0];
	v6 =	vadd.s32 v5, v6;
	v15 =	vmax.f32 v15, $0.0e+00;
	v19 =	vadd.f32 v33, v20  }
0x111: {  	v7 =	vadd.f32 v12, v7;
	v26 =	vld [tilespmem:s6+$0xFFFFFFF0];
	v6 =	vbroadcast v6, $0x0;
	v11 =	vadd.f32 v15, v11  }
0x112: {  	s6 =	sadd.s32 $0x20, s6;
	v17 =	vmax.f32 v17, $0.0e+00;
	v10 =	vadd.f32 v10, v16;
	v38 =	vmax.f32 v19, $0.0e+00;
	v35 =	vld.idx.msk [tilespmem:v24+s28+$0x0], $0xffff  }
0x113: {  	v39 =	vld [tilespmem:s6+$0x0];
	v8 =	vadd.f32 v17, v8;
	v21 =	vshll.u32 v21, $0x6;
	v9 =	vadd.f32 v38, v9  }
0x114: {  	v44 =	vld [tilespmem:s6+$0xFFFFFFF0];
	s6 =	sadd.s32 $0x20, s6;
	v10 =	vmax.f32 v10, $0.0e+00;
	v34 =	vor.u32 v3, v21;
	v36 =	vor.u32 v0, v21  }
0x115: {  	v51 =	vld [tilespmem:s6+$0x0];
	v37 =	vor.u32 v1, v21;
	v40 =	vor.u32 v2, v21;
	v41 =	vand.u32 $0xFFFF0000, v25  }
0x116: {  	v55 =	vld [tilespmem:s6+$0xFFFFFFF0];
	v43 =	vshll.u32 v26, $0x10;
	v46 =	vand.u32 $0xFFFF0000, v26;
	v25 =	vshll.u32 v25, $0x10  }
0x117: {  	v7 =	vadd.f32 v10, v7;
	v19 =	vadd.f32 v41, v22;
	v15 =	vshll.u32 v35, $0x6  }
0x118: {  	v18 =	vadd.f32 v43, v18;
	v14 =	vadd.f32 v46, v14;
	v6 =	vld.idx.msk [tilespmem:v6+s28+$0x0], $0xffff;
	v45 =	vor.u32 v3, v15  }
0x119: {  	v13 =	vadd.f32 v25, v13;
	v52 =	vand.u32 $0xFFFF0000, v39;
	v42 =	vld.idx.msk [tilespmem:v34+s5+$0x0], $0xffff;
	v47 =	vor.u32 v0, v15  }
0x11a: {  	v54 =	vshll.u32 v44, $0x10;
	v22 =	vand.u32 $0xFFFF0000, v44;
	v20 =	vld.idx.msk [tilespmem:v36+s5+$0x0], $0xffff;
	v48 =	vor.u32 v1, v15  }
0x11b: {  	v59 =	vand.u32 $0xFFFF0000, v51;
	v60 =	vshll.u32 v55, $0x10;
	v16 =	vld.idx.msk [tilespmem:v37+s5+$0x0], $0xffff;
	v50 =	vor.u32 v2, v15  }
0x11c: {  	v61 =	vand.u32 $0xFFFF0000, v55;
	v19 =	vmax.f32 v19, $0.0e+00;
	v18 =	vmax.f32 v18, $0.0e+00;
	v12 =	vld.idx.msk [tilespmem:v40+s5+$0x0], $0xffff  }
0x11d: {  	v49 =	vmax.f32 v14, $0.0e+00;
	v13 =	vmax.f32 v13, $0.0e+00;
	v11 =	vadd.f32 v19, v11;
	v53 =	vld.idx.msk [tilespmem:v45+s5+$0x0], $0xffff  }
0x11e: {  	v8 =	vadd.f32 v18, v8;
	v9 =	vadd.f32 v49, v9;
	v6 =	vmax.f32 v6, $1.000000000e+00;
	v19 =	vld.idx.msk [tilespmem:v47+s5+$0x0], $0xffff  }
0x11f: {  	(erf) = vrcp.f32 v6;
	v10 =	vadd.f32 v52, v42;
	v20 =	vadd.f32 v54, v20;
	v56 =	vld.idx.msk [tilespmem:v48+s5+$0x0], $0xffff  }
0x120: {  	v7 =	vadd.f32 v13, v7;
	v6 =	vshll.u32 v39, $0x10;
	v16 =	vadd.f32 v22, v16;
	v14 =	vld.idx.msk [tilespmem:v50+s5+$0x0], $0xffff  }
0x121: {  	v6 =	vadd.f32 v6, v12;
	v10 =	vmax.f32 v10, $0.0e+00;
	v57 =	vmax.f32 v20, $0.0e+00  }
0x122: {  	v58 =	vmax.f32 v16, $0.0e+00;
	v10 =	vadd.f32 v10, v11;
	v8 =	vadd.f32 v57, v8  }
0x123: {  	v15 =	vshll.u32 v51, $0x10;
	v9 =	vadd.f32 v58, v9;
	v11 =	vadd.f32 v59, v53  }
0x124: {  	v6 =	vmax.f32 v6, $0.0e+00;
	v12 =	vadd.f32 v60, v19;
	v13 =	vadd.f32 v61, v56  }
0x125: {  	v6 =	vadd.f32 v6, v7;
	v14 =	vadd.f32 v15, v14  }
0x126: {  	v11 =	vmax.f32 v11, $0.0e+00;
	v12 =	vmax.f32 v12, $0.0e+00;
	v7 =	vmax.f32 v13, $0.0e+00  }
0x127: {  	s31 =	sadd.s32 $0x1, s31;
	v62 =	vmax.f32 v14, $0.0e+00;
	v8 =	vadd.f32 v12, v8;
	v7 =	vadd.f32 v7, v9  }
0x128: {  	p3 =	sne.s32 s31, $0x10;
	v63 =	vpop (erf);
	v10 =	vadd.f32 v11, v10;
	v6 =	vadd.f32 v62, v6  }
.Ltmp4:
0x129: {  	v8 =	vmul.f32 v63, v8;
	v7 =	vmul.f32 v63, v7;
	(pc) =	sbr.rel @p3 .LBB2_3-.Ltmp4, $4  }
0x12a: {  	s23 =	sshll.u32 s22, $0x5;
	v6 =	vmul.f32 v63, v6;
	v9 =	vmul.f32 v63, v10  }
0x12b: {  	s6 =	sand.u32 $0x3FFFFFE0, s23;
	v7 =	vpack.i.f32.bf16 v7, v8  }
0x12c: {  	v6 =	vpack.i.f32.bf16 v9, v6;
	[tilespmem:s6+$0x1AE30] =	vst v7  }
0x12d: {  	p2 =	por !p2, !p2;
	[tilespmem:s6+$0x1AE40] =	vst v6  }
0x12e: {  	s12 =	sshll.u32 s13, $0x7  }
0x12f: {  	p2 =	seq.s32 s13, $0x7;
	s6 =	sadd.s32 @p1 s12, s10  }
.Ltmp5:
0x130: {  	s6 =	sadd.s32 @!p1 s12, s11;
	(pc) =	sbr.rel @p2 .LBB2_10-.Ltmp5, $4  }
0x131: {  	[hbm4b:s6+s2] =	stream.linear.scatter [tilespmem:s7], [sflag:$0x5], $0x400, $0x38;
	[tilespmem:$0x1D130] =	vst v63  }
0x132: {  	_ =	swait.ge [sflag:s19], $0x400  }
0x133: {  	[sflag:s19] =	ssyncset.done $0x0  }
0x134: {  	[sflag:s19] =	ssyncadd.s32 $0xFFFFFC00  }
0x135: {  	_ =	swait.ge [sflag:s29], $0x700  }
0x136: {  	[sflag:s29] =	ssyncset.done $0x0  }
0x137: {  	p2 =	sgt.u32 s13, $0x5;
	[sflag:s29] =	ssyncadd.s32 $0xFFFFF900  }
0x138: {  	s6 =	sshll.u32 @!p2 s13, $0x5;
	_ =	swait.ge [sflag:s30], $0x800  }
0x139: {  	s12 =	simm.s32 @!p2 $0x20;
	s6 =	sand.u32 @!p2 $0x3FFFFFE0, s6;
	[sflag:s30] =	ssyncset.done $0x0  }
0x13a: {  	s14 =	sshll.u32 @!p2 s14, $0xB;
	s6 =	sadd.s32 @!p2 $0x186F0, s6;
	[sflag:s30] =	ssyncadd.s32 $0xFFFFF800  }
0x13b: {  	[tilespmem:s15], [sflag:$0x2] =	stream.indirect.gather @!p2 [hbm4b:s17+s12], $0x38, s6, s12, $0xb8;
	[tilespmem:$0x1D130] =	vst v63  }
0x13c: {  	s13 =	sadd.s32 $0x1, s13;
	s14 =	sor.u32 @!p2 $0x19630, s14  }
0x13d: {  	[tilespmem:s14], [sflag:$0x3] =	stream.indirect.gather @!p2 [hbm4b:s3+s12], $0x40, s6, s12, $0xb8;
	[tilespmem:$0x1D130] =	vst v63  }
0x13e: {  	p2 =	sne.s32 s13, $0x8  }
.Ltmp6:
0x13f: {  	_ = 	snop;
	(pc) =	sbr.rel @p2 .LBB2_2-.Ltmp6, $4  }
.Ltmp7:
0x140: {  	_ = 	snop;
	(pc) =	sbr.rel @!p2 .LBB2_10-.Ltmp7, $4  }
0x141: {  	_ = 	snop  }
0x142: {  	_ = 	snop  }
0x143: {  	_ = 	snop  }
0x144: {  	_ = 	snop  }
.LBB2_11:
0x145: {  	_ =	sfence.sel $0x180000  }
0x146: {  	[bflag:$0x0] =	sbarrier.arrive $0xFFFF  }
0x147: {  	_ =	strace $0x90000047  }
0x148: {  	[bflag:$0x2] =	sbarrier.arrive $0xFFFF  }
0x149: {  	s0 =	rddreg [dreg:$0x4]  }
0x14a: {  	s0 =	sadd.s32 @!p0 $0x100000, s0  }
0x14b: {  	[sflag:s0] =	ssyncadd.tile.s32 @!p0 $0x1;
	_ =	shalt  }
.Lfunc_end2:
_tile_overlayer_lowered:
.L_overlay_start_2:
0x14c: {  	(tag) =	ssettag $0x2  }
0x14d: {  	s0 =	rddreg [dreg:$0x0];
	s2 =	stileid.u32  }
0x14e: {  	s1 =	rddreg [dreg:$0x1];
	p0 =	sne.s32 s2, $0x0  }
0x14f: {  	s3 =	rddreg [dreg:$0x2];
	[bflag:$0x3] =	sbarrier.arrive $0xFFFF;
	s2 =	simm.s32 @!p0 $0x1C05  }
0x150: {  	[timem:s3], [sflag:s2] =	dma.local @!p0 [hbm:s0], s1  }
0x151: {  	s0 =	simm.s32 @!p0 $0x5  }
0x152: {  	_ =	swait.ge @!p0 [sflag:s0], s1  }
0x153: {  	s1 =	ssub.s32 @!p0 $0x0, s1;
	[sflag:s0] =	ssyncset.done @!p0 $0x0  }
0x154: {  	[sflag:s0] =	ssyncadd.s32 @!p0 s1  }
0x155: {  	[bflag:$0x3] =	sbarrier.arrive $0xFFFF  }
0x156: {  	_ =	shalt  }

</sc_bundles>
